<compile_context>
chip_gen: v7x
topology: tpu7x:2x2x1
jax: 0.10.2.dev20260603
libtpu: 0.0.44.dev20260713+nightly
codegen_flags: <defaults>
</compile_context>

<pallas_src>
import functools

import jax
import jax.numpy as jnp
from jax import lax
from jax.experimental import pallas as pl
from jax.experimental.pallas import tpu as pltpu
from jax.experimental.pallas import tpu_sc as plsc

TOPK = 10
MINUS_BIG = -3.0
IDX_BIG = jnp.iinfo(jnp.int32).max


def _normalize(x):
    return x / (jnp.linalg.norm(x, axis=-1, keepdims=True) + 1e-8)


def _sims_kernel(qn_ref, kn_ref, sims_ref, gids_ref, mvalt_ref, *,
                 nkt, bk, k_real, ng, topk):
    kt = pl.program_id(0)
    gpt = bk // 128

    s = lax.dot_general(qn_ref[...], kn_ref[...], (((1,), (1,)), ((), ())),
                        preferred_element_type=jnp.float32)
    col = kt * bk + lax.broadcasted_iota(jnp.int32, (1, bk), 1)
    s = jnp.where(col < k_real, s, MINUS_BIG)
    sims_ref[...] = s

    q = s.shape[0]
    gmax = jnp.max(s.reshape(q, gpt, 128), axis=-1)
    mvalt_ref[pl.ds(kt * gpt, gpt), :] = gmax.T

    @pl.when(kt == nkt - 1)
    def _():
        m = mvalt_ref[...]
        giota = lax.broadcasted_iota(jnp.int32, (ng, 1), 0)
        jiota = lax.broadcasted_iota(jnp.int32, (16, 1), 0)
        gacc = jnp.zeros((16, q), jnp.int32)
        for j in range(topk):
            mx = jnp.max(m, axis=0, keepdims=True)
            am = jnp.min(jnp.where(m == mx, giota, IDX_BIG), axis=0,
                         keepdims=True)
            gacc = jnp.where(jiota == j, am, gacc)
            m = jnp.where(giota == am, MINUS_BIG, m)
        gids_ref[...] = gacc


def _topk_kernel(cand_ref, gidx_ref, vals_ref, idx_ref, *, k_real, topk):
    c = cand_ref[...]
    gix = gidx_ref[...]
    c = jnp.where(gix < k_real, c, MINUS_BIG)
    q = c.shape[0]
    jiota = lax.broadcasted_iota(jnp.int32, (1, 16), 1)
    vacc = jnp.full((q, 16), MINUS_BIG, jnp.float32)
    iacc = jnp.zeros((q, 16), jnp.int32)
    for j in range(topk):
        mx = jnp.max(c, axis=-1, keepdims=True)
        ix = jnp.min(jnp.where(c == mx, gix, IDX_BIG), axis=-1, keepdims=True)
        vacc = jnp.where(jiota == j, mx, vacc)
        iacc = jnp.where(jiota == j, ix, iacc)
        c = jnp.where(gix == ix, MINUS_BIG, c)
    vals_ref[...] = vacc
    idx_ref[...] = iacc


def _build_sims(q, d, k_real, bk, interpret=False):
    nkt = -(-k_real // bk)
    kp = nkt * bk
    ng = kp // 128
    body = functools.partial(_sims_kernel, nkt=nkt, bk=bk, k_real=k_real,
                             ng=ng, topk=TOPK)
    return pl.pallas_call(
        body,
        grid=(nkt,),
        in_specs=[
            pl.BlockSpec((q, d), lambda kt: (0, 0)),
            pl.BlockSpec((bk, d), lambda kt: (kt, 0)),
        ],
        out_specs=[
            pl.BlockSpec((q, bk), lambda kt: (0, kt)),
            pl.BlockSpec((16, q), lambda kt: (0, 0)),
        ],
        out_shape=[
            jax.ShapeDtypeStruct((q, kp), jnp.float32),
            jax.ShapeDtypeStruct((16, q), jnp.int32),
        ],
        scratch_shapes=[
            pltpu.VMEM((ng, q), jnp.float32),
        ],
        interpret=interpret,
    )


def _build_topk(q, ncand, k_real, interpret=False):
    body = functools.partial(_topk_kernel, k_real=k_real, topk=TOPK)
    return pl.pallas_call(
        body,
        in_specs=[
            pl.BlockSpec((q, ncand), lambda: (0, 0)),
            pl.BlockSpec((q, ncand), lambda: (0, 0)),
        ],
        out_specs=[
            pl.BlockSpec((q, 16), lambda: (0, 0)),
            pl.BlockSpec((q, 16), lambda: (0, 0)),
        ],
        out_shape=[
            jax.ShapeDtypeStruct((q, 16), jnp.float32),
            jax.ShapeDtypeStruct((q, 16), jnp.int32),
        ],
        interpret=interpret,
    )


def _build_sc_gather(v, d, b):
    nw, ch = 32, 128
    nchunks = b // ch
    assert b % ch == 0
    nloops = -(-nchunks // nw)
    mesh = plsc.VectorSubcoreMesh(core_axis_name="c", subcore_axis_name="s")

    @functools.partial(
        pl.kernel, mesh=mesh,
        out_type=jax.ShapeDtypeStruct((b, d), jnp.float32),
        scratch_types=[
            pltpu.VMEM((ch,), jnp.int32),
            pltpu.VMEM((ch, d), jnp.float32),
            pltpu.SemaphoreType.DMA,
        ],
    )
    def k(table_hbm, idx_hbm, out_hbm, idx_v, rows_v, sem):
        wid = lax.axis_index("s") * 2 + lax.axis_index("c")
        for j in range(nloops):
            chunk = wid + j * nw

            @pl.when(chunk < nchunks)
            def _():
                base = chunk * ch
                pltpu.sync_copy(idx_hbm.at[pl.ds(base, ch)], idx_v)
                pltpu.async_copy(table_hbm.at[idx_v], rows_v, sem).wait()
                pltpu.sync_copy(rows_v, out_hbm.at[pl.ds(base, ch)])

    return k


def _run(queries, keys, interpret=False):
    q, d = queries.shape
    k_real = keys.shape[0]
    bk = 1024
    qn = _normalize(queries)
    kn = _normalize(keys)
    sims, gids_t = _build_sims(q, d, k_real, bk, interpret)(qn, kn)
    kp = sims.shape[1]
    ng = kp // 128
    gids = gids_t.T

    gids10 = gids[:, :TOPK]
    sims_flat = sims.reshape(q * ng, 128)
    cidx = (jnp.arange(q, dtype=jnp.int32)[:, None] * ng + gids10).reshape(-1)
    cand = _build_sc_gather(q * ng, 128, q * TOPK)(sims_flat, cidx)
    cand = cand.reshape(q, TOPK * 128)
    gidx = (gids10[:, :, None] * 128 +
            jnp.arange(128, dtype=jnp.int32)).reshape(q, TOPK * 128)

    vals, idx = _build_topk(q, TOPK * 128, k_real, interpret)(cand, gidx)
    top_vals = vals[:, :TOPK]
    top_idx = idx[:, :TOPK]
    retrieved = _build_sc_gather(k_real, d, q * TOPK)(
        keys, top_idx.reshape(-1))
    return top_vals, top_idx, retrieved.reshape(q, TOPK, d)


def kernel(queries, keys):
    return _run(queries, keys)

# --- scband reference (transcript-rebuilt; emitter-appended) ---
"""Pipeline reference for scband-giant-brain-24592982737075 (READ-ONLY COPY).

The authoritative reference and input builder live on the scoring server;
editing this copy changes nothing except your own understanding.
"""

import jax, jax.numpy as jnp
import numpy as np

TOP_K = 10

def setup_inputs(seed: int = 0) -> dict:
    key = jax.random.key(seed)
    kq, kk = jax.random.split(key)
    queries = jax.random.normal(kq, (1024, 128), dtype=jnp.float32)
    keys = jax.random.normal(kk, (100000, 128), dtype=jnp.float32)
    return {"queries": queries, "keys": keys}

def reference(queries, keys):
    # Faithful translation of PermanentMemory.search: cosine similarity between
    # each query vector and every memory cell, then take the top_k most similar.
    q_norm = queries / (jnp.linalg.norm(queries, axis=-1, keepdims=True) + 1e-8)
    k_norm = keys / (jnp.linalg.norm(keys, axis=-1, keepdims=True) + 1e-8)
    sims = q_norm @ k_norm.T  # [Q, K] cosine similarities
    top_vals, top_idx = jax.lax.top_k(sims, TOP_K)
    # gather the retrieved memory vectors like result['data']
    retrieved = jnp.take(keys, top_idx, axis=0)  # [Q, TOP_K, d]
    return top_vals, top_idx, retrieved

if __name__ == "__main__":
    import jax
    _d = setup_inputs()
    print(jax.jit(kernel)(*tuple(_d.values())))

</pallas_src>

<mosaic_0001>
#map = affine_map<(d0, d1) -> (0, 0)>
#map1 = affine_map<(d0, d1) -> (0)>
module attributes {stable_mosaic.version = 14 : i64} {
  func.func @k(%arg0: i32, %arg1: i32, %arg2: memref<100000x128xf32, #tpu.memory_space<hbm>>, %arg3: memref<10240xi32, #tpu.memory_space<hbm>>, %arg4: memref<10240x128xf32, #tpu.memory_space<hbm>>, %arg5: memref<128xi32, #tpu.memory_space<vmem>>, %arg6: memref<128x128xf32, #tpu.memory_space<vmem>>, %arg7: memref<!tpu.dma_semaphore, #tpu.memory_space<semaphore_mem>>) attributes {dimension_semantics = [#tpu.dimension_semantics<core_parallel>, #tpu.dimension_semantics<subcore_parallel>], iteration_bounds = array<i64: 2, 16>, scalar_prefetch = 0 : i64, scratch_operands = 3 : i64, tpu.core_type = #tpu.core_type<sc_vector_subcore>, window_params = [{transform_indices = #map}, {transform_indices = #map1}, {transform_indices = #map}]} {
    %mul3A = arith.constant 2 : i32
    %mul3A_0 = arith.muli %arg1, %mul3A : i32
    %add3A = arith.addi %mul3A_0, %arg0 : i32
    %add3A_1 = arith.constant 0 : i32
    %add3A_2 = arith.addi %add3A, %add3A_1 : i32
    %lt3A = arith.constant 80 : i32
    %lt3A_3 = arith.cmpi slt, %add3A_2, %lt3A : i32
    %convert_element_type3A = arith.extui %lt3A_3 : i1 to i32
    %cond3A = arith.constant 0 : i32
    %cond3A_4 = arith.cmpi ne, %convert_element_type3A, %cond3A : i32
    scf.if %cond3A_4 {
      %mul3A_19 = arith.constant 128 : i32
      %mul3A_20 = arith.muli %add3A_2, %mul3A_19 : i32
      "tpu.region"() ({
        %run_scoped3A = tpu.sem_alloc : memref<!tpu.dma_semaphore, #tpu.memory_space<semaphore_mem>>
        %dma_start3A_25 = tpu.memref_slice %arg3[%mul3A_20] : memref<10240xi32, #tpu.memory_space<hbm>> -> memref<128xi32, #tpu.memory_space<hbm>>
        %dma_start3A_26 = tpu.memref_slice %arg3[%mul3A_20] : memref<10240xi32, #tpu.memory_space<hbm>> -> memref<128xi32, #tpu.memory_space<hbm>>
        tpu.enqueue_dma source(%dma_start3A_26 : memref<128xi32, #tpu.memory_space<hbm>>) target(%arg5 : memref<128xi32, #tpu.memory_space<vmem>>) target_semaphore(%run_scoped3A : memref<!tpu.dma_semaphore, #tpu.memory_space<semaphore_mem>>)
        %dma_wait3A_27 = tpu.memref_slice %arg3[%mul3A_20] : memref<10240xi32, #tpu.memory_space<hbm>> -> memref<128xi32, #tpu.memory_space<hbm>>
        %dma_wait3A_28 = tpu.memref_slice %arg3[%mul3A_20] : memref<10240xi32, #tpu.memory_space<hbm>> -> memref<128xi32, #tpu.memory_space<hbm>>
        tpu.wait_dma2 semaphore(%run_scoped3A : memref<!tpu.dma_semaphore, #tpu.memory_space<semaphore_mem>>) src(%dma_wait3A_28 : memref<128xi32, #tpu.memory_space<hbm>>) dst(%arg5 : memref<128xi32, #tpu.memory_space<vmem>>)
        tpu.yield
      }) : () -> ()
      %dma_start3A = arith.constant 0 : i32
      %dma_start3A_21 = arith.constant 0 : i32
      %dma_start3A_22 = tpu.memref_slice %arg2[%dma_start3A, %dma_start3A_21] : memref<100000x128xf32, #tpu.memory_space<hbm>> -> memref<100000x128xf32, #tpu.memory_space<hbm>>
      tpu.enqueue_indirect_dma source(%dma_start3A_22 : memref<100000x128xf32, #tpu.memory_space<hbm>>) target(%arg6 : memref<128x128xf32, #tpu.memory_space<vmem>>) offsets(%arg5 : memref<128xi32, #tpu.memory_space<vmem>>) semaphore(%arg7 : memref<!tpu.dma_semaphore, #tpu.memory_space<semaphore_mem>>)
      %dma_wait3A = arith.constant 0 : i32
      %dma_wait3A_23 = arith.constant 0 : i32
      %dma_wait3A_24 = tpu.memref_slice %arg2[%dma_wait3A, %dma_wait3A_23] : memref<100000x128xf32, #tpu.memory_space<hbm>> -> memref<100000x128xf32, #tpu.memory_space<hbm>>
      tpu.wait_indirect_dma semaphore(%arg7 : memref<!tpu.dma_semaphore, #tpu.memory_space<semaphore_mem>>) src(%dma_wait3A_24 : memref<100000x128xf32, #tpu.memory_space<hbm>>) dst(%arg6 : memref<128x128xf32, #tpu.memory_space<vmem>>)
      "tpu.region"() ({
        %run_scoped3A = tpu.sem_alloc : memref<!tpu.dma_semaphore, #tpu.memory_space<semaphore_mem>>
        %dma_start3A_25 = arith.constant 0 : i32
        %dma_start3A_26 = tpu.memref_slice %arg4[%mul3A_20, %dma_start3A_25] : memref<10240x128xf32, #tpu.memory_space<hbm>> -> memref<128x128xf32, #tpu.memory_space<hbm>>
        %dma_start3A_27 = arith.constant 0 : i32
        %dma_start3A_28 = tpu.memref_slice %arg4[%mul3A_20, %dma_start3A_27] : memref<10240x128xf32, #tpu.memory_space<hbm>> -> memref<128x128xf32, #tpu.memory_space<hbm>>
        tpu.enqueue_dma source(%arg6 : memref<128x128xf32, #tpu.memory_space<vmem>>) target(%dma_start3A_28 : memref<128x128xf32, #tpu.memory_space<hbm>>) target_semaphore(%run_scoped3A : memref<!tpu.dma_semaphore, #tpu.memory_space<semaphore_mem>>)
        %dma_wait3A_29 = arith.constant 0 : i32
        %dma_wait3A_30 = tpu.memref_slice %arg4[%mul3A_20, %dma_wait3A_29] : memref<10240x128xf32, #tpu.memory_space<hbm>> -> memref<128x128xf32, #tpu.memory_space<hbm>>
        %dma_wait3A_31 = arith.constant 0 : i32
        %dma_wait3A_32 = tpu.memref_slice %arg4[%mul3A_20, %dma_wait3A_31] : memref<10240x128xf32, #tpu.memory_space<hbm>> -> memref<128x128xf32, #tpu.memory_space<hbm>>
        tpu.wait_dma2 semaphore(%run_scoped3A : memref<!tpu.dma_semaphore, #tpu.memory_space<semaphore_mem>>) src(%arg6 : memref<128x128xf32, #tpu.memory_space<vmem>>) dst(%dma_wait3A_32 : memref<128x128xf32, #tpu.memory_space<hbm>>)
        tpu.yield
      }) : () -> ()
    } else {
    }
    %add3A_5 = arith.constant 32 : i32
    %add3A_6 = arith.addi %add3A, %add3A_5 : i32
    %lt3A_7 = arith.constant 80 : i32
    %lt3A_8 = arith.cmpi slt, %add3A_6, %lt3A_7 : i32
    %convert_element_type3A_9 = arith.extui %lt3A_8 : i1 to i32
    %cond3A_10 = arith.constant 0 : i32
    %cond3A_11 = arith.cmpi ne, %convert_element_type3A_9, %cond3A_10 : i32
    scf.if %cond3A_11 {
      %mul3A_19 = arith.constant 128 : i32
      %mul3A_20 = arith.muli %add3A_6, %mul3A_19 : i32
      "tpu.region"() ({
        %run_scoped3A = tpu.sem_alloc : memref<!tpu.dma_semaphore, #tpu.memory_space<semaphore_mem>>
        %dma_start3A_25 = tpu.memref_slice %arg3[%mul3A_20] : memref<10240xi32, #tpu.memory_space<hbm>> -> memref<128xi32, #tpu.memory_space<hbm>>
        %dma_start3A_26 = tpu.memref_slice %arg3[%mul3A_20] : memref<10240xi32, #tpu.memory_space<hbm>> -> memref<128xi32, #tpu.memory_space<hbm>>
        tpu.enqueue_dma source(%dma_start3A_26 : memref<128xi32, #tpu.memory_space<hbm>>) target(%arg5 : memref<128xi32, #tpu.memory_space<vmem>>) target_semaphore(%run_scoped3A : memref<!tpu.dma_semaphore, #tpu.memory_space<semaphore_mem>>)
        %dma_wait3A_27 = tpu.memref_slice %arg3[%mul3A_20] : memref<10240xi32, #tpu.memory_space<hbm>> -> memref<128xi32, #tpu.memory_space<hbm>>
        %dma_wait3A_28 = tpu.memref_slice %arg3[%mul3A_20] : memref<10240xi32, #tpu.memory_space<hbm>> -> memref<128xi32, #tpu.memory_space<hbm>>
        tpu.wait_dma2 semaphore(%run_scoped3A : memref<!tpu.dma_semaphore, #tpu.memory_space<semaphore_mem>>) src(%dma_wait3A_28 : memref<128xi32, #tpu.memory_space<hbm>>) dst(%arg5 : memref<128xi32, #tpu.memory_space<vmem>>)
        tpu.yield
      }) : () -> ()
      %dma_start3A = arith.constant 0 : i32
      %dma_start3A_21 = arith.constant 0 : i32
      %dma_start3A_22 = tpu.memref_slice %arg2[%dma_start3A, %dma_start3A_21] : memref<100000x128xf32, #tpu.memory_space<hbm>> -> memref<100000x128xf32, #tpu.memory_space<hbm>>
      tpu.enqueue_indirect_dma source(%dma_start3A_22 : memref<100000x128xf32, #tpu.memory_space<hbm>>) target(%arg6 : memref<128x128xf32, #tpu.memory_space<vmem>>) offsets(%arg5 : memref<128xi32, #tpu.memory_space<vmem>>) semaphore(%arg7 : memref<!tpu.dma_semaphore, #tpu.memory_space<semaphore_mem>>)
      %dma_wait3A = arith.constant 0 : i32
      %dma_wait3A_23 = arith.constant 0 : i32
      %dma_wait3A_24 = tpu.memref_slice %arg2[%dma_wait3A, %dma_wait3A_23] : memref<100000x128xf32, #tpu.memory_space<hbm>> -> memref<100000x128xf32, #tpu.memory_space<hbm>>
      tpu.wait_indirect_dma semaphore(%arg7 : memref<!tpu.dma_semaphore, #tpu.memory_space<semaphore_mem>>) src(%dma_wait3A_24 : memref<100000x128xf32, #tpu.memory_space<hbm>>) dst(%arg6 : memref<128x128xf32, #tpu.memory_space<vmem>>)
      "tpu.region"() ({
        %run_scoped3A = tpu.sem_alloc : memref<!tpu.dma_semaphore, #tpu.memory_space<semaphore_mem>>
        %dma_start3A_25 = arith.constant 0 : i32
        %dma_start3A_26 = tpu.memref_slice %arg4[%mul3A_20, %dma_start3A_25] : memref<10240x128xf32, #tpu.memory_space<hbm>> -> memref<128x128xf32, #tpu.memory_space<hbm>>
        %dma_start3A_27 = arith.constant 0 : i32
        %dma_start3A_28 = tpu.memref_slice %arg4[%mul3A_20, %dma_start3A_27] : memref<10240x128xf32, #tpu.memory_space<hbm>> -> memref<128x128xf32, #tpu.memory_space<hbm>>
        tpu.enqueue_dma source(%arg6 : memref<128x128xf32, #tpu.memory_space<vmem>>) target(%dma_start3A_28 : memref<128x128xf32, #tpu.memory_space<hbm>>) target_semaphore(%run_scoped3A : memref<!tpu.dma_semaphore, #tpu.memory_space<semaphore_mem>>)
        %dma_wait3A_29 = arith.constant 0 : i32
        %dma_wait3A_30 = tpu.memref_slice %arg4[%mul3A_20, %dma_wait3A_29] : memref<10240x128xf32, #tpu.memory_space<hbm>> -> memref<128x128xf32, #tpu.memory_space<hbm>>
        %dma_wait3A_31 = arith.constant 0 : i32
        %dma_wait3A_32 = tpu.memref_slice %arg4[%mul3A_20, %dma_wait3A_31] : memref<10240x128xf32, #tpu.memory_space<hbm>> -> memref<128x128xf32, #tpu.memory_space<hbm>>
        tpu.wait_dma2 semaphore(%run_scoped3A : memref<!tpu.dma_semaphore, #tpu.memory_space<semaphore_mem>>) src(%arg6 : memref<128x128xf32, #tpu.memory_space<vmem>>) dst(%dma_wait3A_32 : memref<128x128xf32, #tpu.memory_space<hbm>>)
        tpu.yield
      }) : () -> ()
    } else {
    }
    %add3A_12 = arith.constant 64 : i32
    %add3A_13 = arith.addi %add3A, %add3A_12 : i32
    %lt3A_14 = arith.constant 80 : i32
    %lt3A_15 = arith.cmpi slt, %add3A_13, %lt3A_14 : i32
    %convert_element_type3A_16 = arith.extui %lt3A_15 : i1 to i32
    %cond3A_17 = arith.constant 0 : i32
    %cond3A_18 = arith.cmpi ne, %convert_element_type3A_16, %cond3A_17 : i32
    scf.if %cond3A_18 {
      %mul3A_19 = arith.constant 128 : i32
      %mul3A_20 = arith.muli %add3A_13, %mul3A_19 : i32
      "tpu.region"() ({
        %run_scoped3A = tpu.sem_alloc : memref<!tpu.dma_semaphore, #tpu.memory_space<semaphore_mem>>
        %dma_start3A_25 = tpu.memref_slice %arg3[%mul3A_20] : memref<10240xi32, #tpu.memory_space<hbm>> -> memref<128xi32, #tpu.memory_space<hbm>>
        %dma_start3A_26 = tpu.memref_slice %arg3[%mul3A_20] : memref<10240xi32, #tpu.memory_space<hbm>> -> memref<128xi32, #tpu.memory_space<hbm>>
        tpu.enqueue_dma source(%dma_start3A_26 : memref<128xi32, #tpu.memory_space<hbm>>) target(%arg5 : memref<128xi32, #tpu.memory_space<vmem>>) target_semaphore(%run_scoped3A : memref<!tpu.dma_semaphore, #tpu.memory_space<semaphore_mem>>)
        %dma_wait3A_27 = tpu.memref_slice %arg3[%mul3A_20] : memref<10240xi32, #tpu.memory_space<hbm>> -> memref<128xi32, #tpu.memory_space<hbm>>
        %dma_wait3A_28 = tpu.memref_slice %arg3[%mul3A_20] : memref<10240xi32, #tpu.memory_space<hbm>> -> memref<128xi32, #tpu.memory_space<hbm>>
        tpu.wait_dma2 semaphore(%run_scoped3A : memref<!tpu.dma_semaphore, #tpu.memory_space<semaphore_mem>>) src(%dma_wait3A_28 : memref<128xi32, #tpu.memory_space<hbm>>) dst(%arg5 : memref<128xi32, #tpu.memory_space<vmem>>)
        tpu.yield
      }) : () -> ()
      %dma_start3A = arith.constant 0 : i32
      %dma_start3A_21 = arith.constant 0 : i32
      %dma_start3A_22 = tpu.memref_slice %arg2[%dma_start3A, %dma_start3A_21] : memref<100000x128xf32, #tpu.memory_space<hbm>> -> memref<100000x128xf32, #tpu.memory_space<hbm>>
      tpu.enqueue_indirect_dma source(%dma_start3A_22 : memref<100000x128xf32, #tpu.memory_space<hbm>>) target(%arg6 : memref<128x128xf32, #tpu.memory_space<vmem>>) offsets(%arg5 : memref<128xi32, #tpu.memory_space<vmem>>) semaphore(%arg7 : memref<!tpu.dma_semaphore, #tpu.memory_space<semaphore_mem>>)
      %dma_wait3A = arith.constant 0 : i32
      %dma_wait3A_23 = arith.constant 0 : i32
      %dma_wait3A_24 = tpu.memref_slice %arg2[%dma_wait3A, %dma_wait3A_23] : memref<100000x128xf32, #tpu.memory_space<hbm>> -> memref<100000x128xf32, #tpu.memory_space<hbm>>
      tpu.wait_indirect_dma semaphore(%arg7 : memref<!tpu.dma_semaphore, #tpu.memory_space<semaphore_mem>>) src(%dma_wait3A_24 : memref<100000x128xf32, #tpu.memory_space<hbm>>) dst(%arg6 : memref<128x128xf32, #tpu.memory_space<vmem>>)
      "tpu.region"() ({
        %run_scoped3A = tpu.sem_alloc : memref<!tpu.dma_semaphore, #tpu.memory_space<semaphore_mem>>
        %dma_start3A_25 = arith.constant 0 : i32
        %dma_start3A_26 = tpu.memref_slice %arg4[%mul3A_20, %dma_start3A_25] : memref<10240x128xf32, #tpu.memory_space<hbm>> -> memref<128x128xf32, #tpu.memory_space<hbm>>
        %dma_start3A_27 = arith.constant 0 : i32
        %dma_start3A_28 = tpu.memref_slice %arg4[%mul3A_20, %dma_start3A_27] : memref<10240x128xf32, #tpu.memory_space<hbm>> -> memref<128x128xf32, #tpu.memory_space<hbm>>
        tpu.enqueue_dma source(%arg6 : memref<128x128xf32, #tpu.memory_space<vmem>>) target(%dma_start3A_28 : memref<128x128xf32, #tpu.memory_space<hbm>>) target_semaphore(%run_scoped3A : memref<!tpu.dma_semaphore, #tpu.memory_space<semaphore_mem>>)
        %dma_wait3A_29 = arith.constant 0 : i32
        %dma_wait3A_30 = tpu.memref_slice %arg4[%mul3A_20, %dma_wait3A_29] : memref<10240x128xf32, #tpu.memory_space<hbm>> -> memref<128x128xf32, #tpu.memory_space<hbm>>
        %dma_wait3A_31 = arith.constant 0 : i32
        %dma_wait3A_32 = tpu.memref_slice %arg4[%mul3A_20, %dma_wait3A_31] : memref<10240x128xf32, #tpu.memory_space<hbm>> -> memref<128x128xf32, #tpu.memory_space<hbm>>
        tpu.wait_dma2 semaphore(%run_scoped3A : memref<!tpu.dma_semaphore, #tpu.memory_space<semaphore_mem>>) src(%arg6 : memref<128x128xf32, #tpu.memory_space<vmem>>) dst(%dma_wait3A_32 : memref<128x128xf32, #tpu.memory_space<hbm>>)
        tpu.yield
      }) : () -> ()
    } else {
    }
    return
  }
}

#map = affine_map<(d0, d1) -> (0, 0)>
#map1 = affine_map<(d0, d1) -> (0)>
module attributes {stable_mosaic.version = 14 : i64} {
  func.func @k(%arg0: i32, %arg1: i32, %arg2: memref<802816x128xf32, #tpu.memory_space<hbm>>, %arg3: memref<10240xi32, #tpu.memory_space<hbm>>, %arg4: memref<10240x128xf32, #tpu.memory_space<hbm>>, %arg5: memref<128xi32, #tpu.memory_space<vmem>>, %arg6: memref<128x128xf32, #tpu.memory_space<vmem>>, %arg7: memref<!tpu.dma_semaphore, #tpu.memory_space<semaphore_mem>>) attributes {dimension_semantics = [#tpu.dimension_semantics<core_parallel>, #tpu.dimension_semantics<subcore_parallel>], iteration_bounds = array<i64: 2, 16>, scalar_prefetch = 0 : i64, scratch_operands = 3 : i64, tpu.core_type = #tpu.core_type<sc_vector_subcore>, window_params = [{transform_indices = #map}, {transform_indices = #map1}, {transform_indices = #map}]} {
    %mul3A = arith.constant 2 : i32
    %mul3A_0 = arith.muli %arg1, %mul3A : i32
    %add3A = arith.addi %mul3A_0, %arg0 : i32
    %add3A_1 = arith.constant 0 : i32
    %add3A_2 = arith.addi %add3A, %add3A_1 : i32
    %lt3A = arith.constant 80 : i32
    %lt3A_3 = arith.cmpi slt, %add3A_2, %lt3A : i32
    %convert_element_type3A = arith.extui %lt3A_3 : i1 to i32
    %cond3A = arith.constant 0 : i32
    %cond3A_4 = arith.cmpi ne, %convert_element_type3A, %cond3A : i32
    scf.if %cond3A_4 {
      %mul3A_19 = arith.constant 128 : i32
      %mul3A_20 = arith.muli %add3A_2, %mul3A_19 : i32
      "tpu.region"() ({
        %run_scoped3A = tpu.sem_alloc : memref<!tpu.dma_semaphore, #tpu.memory_space<semaphore_mem>>
        %dma_start3A_25 = tpu.memref_slice %arg3[%mul3A_20] : memref<10240xi32, #tpu.memory_space<hbm>> -> memref<128xi32, #tpu.memory_space<hbm>>
        %dma_start3A_26 = tpu.memref_slice %arg3[%mul3A_20] : memref<10240xi32, #tpu.memory_space<hbm>> -> memref<128xi32, #tpu.memory_space<hbm>>
        tpu.enqueue_dma source(%dma_start3A_26 : memref<128xi32, #tpu.memory_space<hbm>>) target(%arg5 : memref<128xi32, #tpu.memory_space<vmem>>) target_semaphore(%run_scoped3A : memref<!tpu.dma_semaphore, #tpu.memory_space<semaphore_mem>>)
        %dma_wait3A_27 = tpu.memref_slice %arg3[%mul3A_20] : memref<10240xi32, #tpu.memory_space<hbm>> -> memref<128xi32, #tpu.memory_space<hbm>>
        %dma_wait3A_28 = tpu.memref_slice %arg3[%mul3A_20] : memref<10240xi32, #tpu.memory_space<hbm>> -> memref<128xi32, #tpu.memory_space<hbm>>
        tpu.wait_dma2 semaphore(%run_scoped3A : memref<!tpu.dma_semaphore, #tpu.memory_space<semaphore_mem>>) src(%dma_wait3A_28 : memref<128xi32, #tpu.memory_space<hbm>>) dst(%arg5 : memref<128xi32, #tpu.memory_space<vmem>>)
        tpu.yield
      }) : () -> ()
      %dma_start3A = arith.constant 0 : i32
      %dma_start3A_21 = arith.constant 0 : i32
      %dma_start3A_22 = tpu.memref_slice %arg2[%dma_start3A, %dma_start3A_21] : memref<802816x128xf32, #tpu.memory_space<hbm>> -> memref<802816x128xf32, #tpu.memory_space<hbm>>
      tpu.enqueue_indirect_dma source(%dma_start3A_22 : memref<802816x128xf32, #tpu.memory_space<hbm>>) target(%arg6 : memref<128x128xf32, #tpu.memory_space<vmem>>) offsets(%arg5 : memref<128xi32, #tpu.memory_space<vmem>>) semaphore(%arg7 : memref<!tpu.dma_semaphore, #tpu.memory_space<semaphore_mem>>)
      %dma_wait3A = arith.constant 0 : i32
      %dma_wait3A_23 = arith.constant 0 : i32
      %dma_wait3A_24 = tpu.memref_slice %arg2[%dma_wait3A, %dma_wait3A_23] : memref<802816x128xf32, #tpu.memory_space<hbm>> -> memref<802816x128xf32, #tpu.memory_space<hbm>>
      tpu.wait_indirect_dma semaphore(%arg7 : memref<!tpu.dma_semaphore, #tpu.memory_space<semaphore_mem>>) src(%dma_wait3A_24 : memref<802816x128xf32, #tpu.memory_space<hbm>>) dst(%arg6 : memref<128x128xf32, #tpu.memory_space<vmem>>)
      "tpu.region"() ({
        %run_scoped3A = tpu.sem_alloc : memref<!tpu.dma_semaphore, #tpu.memory_space<semaphore_mem>>
        %dma_start3A_25 = arith.constant 0 : i32
        %dma_start3A_26 = tpu.memref_slice %arg4[%mul3A_20, %dma_start3A_25] : memref<10240x128xf32, #tpu.memory_space<hbm>> -> memref<128x128xf32, #tpu.memory_space<hbm>>
        %dma_start3A_27 = arith.constant 0 : i32
        %dma_start3A_28 = tpu.memref_slice %arg4[%mul3A_20, %dma_start3A_27] : memref<10240x128xf32, #tpu.memory_space<hbm>> -> memref<128x128xf32, #tpu.memory_space<hbm>>
        tpu.enqueue_dma source(%arg6 : memref<128x128xf32, #tpu.memory_space<vmem>>) target(%dma_start3A_28 : memref<128x128xf32, #tpu.memory_space<hbm>>) target_semaphore(%run_scoped3A : memref<!tpu.dma_semaphore, #tpu.memory_space<semaphore_mem>>)
        %dma_wait3A_29 = arith.constant 0 : i32
        %dma_wait3A_30 = tpu.memref_slice %arg4[%mul3A_20, %dma_wait3A_29] : memref<10240x128xf32, #tpu.memory_space<hbm>> -> memref<128x128xf32, #tpu.memory_space<hbm>>
        %dma_wait3A_31 = arith.constant 0 : i32
        %dma_wait3A_32 = tpu.memref_slice %arg4[%mul3A_20, %dma_wait3A_31] : memref<10240x128xf32, #tpu.memory_space<hbm>> -> memref<128x128xf32, #tpu.memory_space<hbm>>
        tpu.wait_dma2 semaphore(%run_scoped3A : memref<!tpu.dma_semaphore, #tpu.memory_space<semaphore_mem>>) src(%arg6 : memref<128x128xf32, #tpu.memory_space<vmem>>) dst(%dma_wait3A_32 : memref<128x128xf32, #tpu.memory_space<hbm>>)
        tpu.yield
      }) : () -> ()
    } else {
    }
    %add3A_5 = arith.constant 32 : i32
    %add3A_6 = arith.addi %add3A, %add3A_5 : i32
    %lt3A_7 = arith.constant 80 : i32
    %lt3A_8 = arith.cmpi slt, %add3A_6, %lt3A_7 : i32
    %convert_element_type3A_9 = arith.extui %lt3A_8 : i1 to i32
    %cond3A_10 = arith.constant 0 : i32
    %cond3A_11 = arith.cmpi ne, %convert_element_type3A_9, %cond3A_10 : i32
    scf.if %cond3A_11 {
      %mul3A_19 = arith.constant 128 : i32
      %mul3A_20 = arith.muli %add3A_6, %mul3A_19 : i32
      "tpu.region"() ({
        %run_scoped3A = tpu.sem_alloc : memref<!tpu.dma_semaphore, #tpu.memory_space<semaphore_mem>>
        %dma_start3A_25 = tpu.memref_slice %arg3[%mul3A_20] : memref<10240xi32, #tpu.memory_space<hbm>> -> memref<128xi32, #tpu.memory_space<hbm>>
        %dma_start3A_26 = tpu.memref_slice %arg3[%mul3A_20] : memref<10240xi32, #tpu.memory_space<hbm>> -> memref<128xi32, #tpu.memory_space<hbm>>
        tpu.enqueue_dma source(%dma_start3A_26 : memref<128xi32, #tpu.memory_space<hbm>>) target(%arg5 : memref<128xi32, #tpu.memory_space<vmem>>) target_semaphore(%run_scoped3A : memref<!tpu.dma_semaphore, #tpu.memory_space<semaphore_mem>>)
        %dma_wait3A_27 = tpu.memref_slice %arg3[%mul3A_20] : memref<10240xi32, #tpu.memory_space<hbm>> -> memref<128xi32, #tpu.memory_space<hbm>>
        %dma_wait3A_28 = tpu.memref_slice %arg3[%mul3A_20] : memref<10240xi32, #tpu.memory_space<hbm>> -> memref<128xi32, #tpu.memory_space<hbm>>
        tpu.wait_dma2 semaphore(%run_scoped3A : memref<!tpu.dma_semaphore, #tpu.memory_space<semaphore_mem>>) src(%dma_wait3A_28 : memref<128xi32, #tpu.memory_space<hbm>>) dst(%arg5 : memref<128xi32, #tpu.memory_space<vmem>>)
        tpu.yield
      }) : () -> ()
      %dma_start3A = arith.constant 0 : i32
      %dma_start3A_21 = arith.constant 0 : i32
      %dma_start3A_22 = tpu.memref_slice %arg2[%dma_start3A, %dma_start3A_21] : memref<802816x128xf32, #tpu.memory_space<hbm>> -> memref<802816x128xf32, #tpu.memory_space<hbm>>
      tpu.enqueue_indirect_dma source(%dma_start3A_22 : memref<802816x128xf32, #tpu.memory_space<hbm>>) target(%arg6 : memref<128x128xf32, #tpu.memory_space<vmem>>) offsets(%arg5 : memref<128xi32, #tpu.memory_space<vmem>>) semaphore(%arg7 : memref<!tpu.dma_semaphore, #tpu.memory_space<semaphore_mem>>)
      %dma_wait3A = arith.constant 0 : i32
      %dma_wait3A_23 = arith.constant 0 : i32
      %dma_wait3A_24 = tpu.memref_slice %arg2[%dma_wait3A, %dma_wait3A_23] : memref<802816x128xf32, #tpu.memory_space<hbm>> -> memref<802816x128xf32, #tpu.memory_space<hbm>>
      tpu.wait_indirect_dma semaphore(%arg7 : memref<!tpu.dma_semaphore, #tpu.memory_space<semaphore_mem>>) src(%dma_wait3A_24 : memref<802816x128xf32, #tpu.memory_space<hbm>>) dst(%arg6 : memref<128x128xf32, #tpu.memory_space<vmem>>)
      "tpu.region"() ({
        %run_scoped3A = tpu.sem_alloc : memref<!tpu.dma_semaphore, #tpu.memory_space<semaphore_mem>>
        %dma_start3A_25 = arith.constant 0 : i32
        %dma_start3A_26 = tpu.memref_slice %arg4[%mul3A_20, %dma_start3A_25] : memref<10240x128xf32, #tpu.memory_space<hbm>> -> memref<128x128xf32, #tpu.memory_space<hbm>>
        %dma_start3A_27 = arith.constant 0 : i32
        %dma_start3A_28 = tpu.memref_slice %arg4[%mul3A_20, %dma_start3A_27] : memref<10240x128xf32, #tpu.memory_space<hbm>> -> memref<128x128xf32, #tpu.memory_space<hbm>>
        tpu.enqueue_dma source(%arg6 : memref<128x128xf32, #tpu.memory_space<vmem>>) target(%dma_start3A_28 : memref<128x128xf32, #tpu.memory_space<hbm>>) target_semaphore(%run_scoped3A : memref<!tpu.dma_semaphore, #tpu.memory_space<semaphore_mem>>)
        %dma_wait3A_29 = arith.constant 0 : i32
        %dma_wait3A_30 = tpu.memref_slice %arg4[%mul3A_20, %dma_wait3A_29] : memref<10240x128xf32, #tpu.memory_space<hbm>> -> memref<128x128xf32, #tpu.memory_space<hbm>>
        %dma_wait3A_31 = arith.constant 0 : i32
        %dma_wait3A_32 = tpu.memref_slice %arg4[%mul3A_20, %dma_wait3A_31] : memref<10240x128xf32, #tpu.memory_space<hbm>> -> memref<128x128xf32, #tpu.memory_space<hbm>>
        tpu.wait_dma2 semaphore(%run_scoped3A : memref<!tpu.dma_semaphore, #tpu.memory_space<semaphore_mem>>) src(%arg6 : memref<128x128xf32, #tpu.memory_space<vmem>>) dst(%dma_wait3A_32 : memref<128x128xf32, #tpu.memory_space<hbm>>)
        tpu.yield
      }) : () -> ()
    } else {
    }
    %add3A_12 = arith.constant 64 : i32
    %add3A_13 = arith.addi %add3A, %add3A_12 : i32
    %lt3A_14 = arith.constant 80 : i32
    %lt3A_15 = arith.cmpi slt, %add3A_13, %lt3A_14 : i32
    %convert_element_type3A_16 = arith.extui %lt3A_15 : i1 to i32
    %cond3A_17 = arith.constant 0 : i32
    %cond3A_18 = arith.cmpi ne, %convert_element_type3A_16, %cond3A_17 : i32
    scf.if %cond3A_18 {
      %mul3A_19 = arith.constant 128 : i32
      %mul3A_20 = arith.muli %add3A_13, %mul3A_19 : i32
      "tpu.region"() ({
        %run_scoped3A = tpu.sem_alloc : memref<!tpu.dma_semaphore, #tpu.memory_space<semaphore_mem>>
        %dma_start3A_25 = tpu.memref_slice %arg3[%mul3A_20] : memref<10240xi32, #tpu.memory_space<hbm>> -> memref<128xi32, #tpu.memory_space<hbm>>
        %dma_start3A_26 = tpu.memref_slice %arg3[%mul3A_20] : memref<10240xi32, #tpu.memory_space<hbm>> -> memref<128xi32, #tpu.memory_space<hbm>>
        tpu.enqueue_dma source(%dma_start3A_26 : memref<128xi32, #tpu.memory_space<hbm>>) target(%arg5 : memref<128xi32, #tpu.memory_space<vmem>>) target_semaphore(%run_scoped3A : memref<!tpu.dma_semaphore, #tpu.memory_space<semaphore_mem>>)
        %dma_wait3A_27 = tpu.memref_slice %arg3[%mul3A_20] : memref<10240xi32, #tpu.memory_space<hbm>> -> memref<128xi32, #tpu.memory_space<hbm>>
        %dma_wait3A_28 = tpu.memref_slice %arg3[%mul3A_20] : memref<10240xi32, #tpu.memory_space<hbm>> -> memref<128xi32, #tpu.memory_space<hbm>>
        tpu.wait_dma2 semaphore(%run_scoped3A : memref<!tpu.dma_semaphore, #tpu.memory_space<semaphore_mem>>) src(%dma_wait3A_28 : memref<128xi32, #tpu.memory_space<hbm>>) dst(%arg5 : memref<128xi32, #tpu.memory_space<vmem>>)
        tpu.yield
      }) : () -> ()
      %dma_start3A = arith.constant 0 : i32
      %dma_start3A_21 = arith.constant 0 : i32
      %dma_start3A_22 = tpu.memref_slice %arg2[%dma_start3A, %dma_start3A_21] : memref<802816x128xf32, #tpu.memory_space<hbm>> -> memref<802816x128xf32, #tpu.memory_space<hbm>>
      tpu.enqueue_indirect_dma source(%dma_start3A_22 : memref<802816x128xf32, #tpu.memory_space<hbm>>) target(%arg6 : memref<128x128xf32, #tpu.memory_space<vmem>>) offsets(%arg5 : memref<128xi32, #tpu.memory_space<vmem>>) semaphore(%arg7 : memref<!tpu.dma_semaphore, #tpu.memory_space<semaphore_mem>>)
      %dma_wait3A = arith.constant 0 : i32
      %dma_wait3A_23 = arith.constant 0 : i32
      %dma_wait3A_24 = tpu.memref_slice %arg2[%dma_wait3A, %dma_wait3A_23] : memref<802816x128xf32, #tpu.memory_space<hbm>> -> memref<802816x128xf32, #tpu.memory_space<hbm>>
      tpu.wait_indirect_dma semaphore(%arg7 : memref<!tpu.dma_semaphore, #tpu.memory_space<semaphore_mem>>) src(%dma_wait3A_24 : memref<802816x128xf32, #tpu.memory_space<hbm>>) dst(%arg6 : memref<128x128xf32, #tpu.memory_space<vmem>>)
      "tpu.region"() ({
        %run_scoped3A = tpu.sem_alloc : memref<!tpu.dma_semaphore, #tpu.memory_space<semaphore_mem>>
        %dma_start3A_25 = arith.constant 0 : i32
        %dma_start3A_26 = tpu.memref_slice %arg4[%mul3A_20, %dma_start3A_25] : memref<10240x128xf32, #tpu.memory_space<hbm>> -> memref<128x128xf32, #tpu.memory_space<hbm>>
        %dma_start3A_27 = arith.constant 0 : i32
        %dma_start3A_28 = tpu.memref_slice %arg4[%mul3A_20, %dma_start3A_27] : memref<10240x128xf32, #tpu.memory_space<hbm>> -> memref<128x128xf32, #tpu.memory_space<hbm>>
        tpu.enqueue_dma source(%arg6 : memref<128x128xf32, #tpu.memory_space<vmem>>) target(%dma_start3A_28 : memref<128x128xf32, #tpu.memory_space<hbm>>) target_semaphore(%run_scoped3A : memref<!tpu.dma_semaphore, #tpu.memory_space<semaphore_mem>>)
        %dma_wait3A_29 = arith.constant 0 : i32
        %dma_wait3A_30 = tpu.memref_slice %arg4[%mul3A_20, %dma_wait3A_29] : memref<10240x128xf32, #tpu.memory_space<hbm>> -> memref<128x128xf32, #tpu.memory_space<hbm>>
        %dma_wait3A_31 = arith.constant 0 : i32
        %dma_wait3A_32 = tpu.memref_slice %arg4[%mul3A_20, %dma_wait3A_31] : memref<10240x128xf32, #tpu.memory_space<hbm>> -> memref<128x128xf32, #tpu.memory_space<hbm>>
        tpu.wait_dma2 semaphore(%run_scoped3A : memref<!tpu.dma_semaphore, #tpu.memory_space<semaphore_mem>>) src(%arg6 : memref<128x128xf32, #tpu.memory_space<vmem>>) dst(%dma_wait3A_32 : memref<128x128xf32, #tpu.memory_space<hbm>>)
        tpu.yield
      }) : () -> ()
    } else {
    }
    return
  }
}

module attributes {stable_mosaic.version = 14 : i64} {
  func.func @_sims_kernel(%arg0: i32, %arg1: memref<1024x128xf32, #tpu.memory_space<vmem>>, %arg2: memref<1024x128xf32, #tpu.memory_space<vmem>>, %arg3: memref<1024x1024xf32, #tpu.memory_space<vmem>>, %arg4: memref<16x1024xi32, #tpu.memory_space<vmem>>, %arg5: memref<784x1024xf32, #tpu.memory_space<vmem>>) attributes {dimension_semantics = [#tpu.dimension_semantics<arbitrary>], iteration_bounds = array<i64: 98>, scalar_prefetch = 0 : i64, scratch_operands = 1 : i64, tpu.core_type = #tpu.core_type<tc>, window_params = [{pipeline_mode = #tpu.pipeline_mode<synchronous>, transform_indices = @transform_0, window_bounds = array<i64: 1024, 128>}, {transform_indices = @transform_1, window_bounds = array<i64: 1024, 128>}, {transform_indices = @transform_2, window_bounds = array<i64: 1024, 1024>}, {pipeline_mode = #tpu.pipeline_mode<synchronous>, transform_indices = @transform_3, window_bounds = array<i64: 16, 1024>}]} {
    %get3A = arith.constant 0 : index
    %get3A_0 = arith.constant 0 : index
    %get3A_1 = vector.load %arg1[%get3A, %get3A_0] : memref<1024x128xf32, #tpu.memory_space<vmem>>, vector<1024x128xf32>
    %get3A_2 = arith.constant 0 : index
    %get3A_3 = arith.constant 0 : index
    %get3A_4 = vector.load %arg2[%get3A_2, %get3A_3] : memref<1024x128xf32, #tpu.memory_space<vmem>>, vector<1024x128xf32>
    %dot_general3A = arith.constant dense<0.000000e+00> : vector<1024x1024xf32>
    %dot_general3A_5 = tpu.matmul %get3A_1, %get3A_4, %dot_general3A {dimension_numbers = #tpu.dot_dimension_numbers<[1], [1], [0], [0], [0, 0, 1, 0], [], []>, transpose_lhs_hint = false} : vector<1024x128xf32>, vector<1024x128xf32>, vector<1024x1024xf32> -> vector<1024x1024xf32>
    %mul3A = arith.constant 1024 : i32
    %mul3A_6 = arith.muli %arg0, %mul3A : i32
    %iota3A = tpu.iota {dimensions = array<i32: 1>} : vector<1x1024xi32>
    %add3A = vector.broadcast %mul3A_6 : i32 to vector<1x1024xi32>
    %add3A_7 = arith.addi %add3A, %iota3A : vector<1x1024xi32>
    %lt3A = arith.constant 100000 : i32
    %lt3A_8 = vector.broadcast %lt3A : i32 to vector<1x1024xi32>
    %lt3A_9 = arith.cmpi slt, %add3A_7, %lt3A_8 : vector<1x1024xi32>
    %jit3A = arith.constant -3.000000e+00 : f32
    %broadcast_in_dim3A = vector.shape_cast %lt3A_9 : vector<1x1024xi1> to vector<1x1024xi1>
    %broadcast_in_dim3A_10 = vector.broadcast %broadcast_in_dim3A : vector<1x1024xi1> to vector<1024x1024xi1>
    %broadcast_in_dim3A_11 = vector.broadcast %jit3A : f32 to vector<1024x1024xf32>
    %select_n3A = arith.select %broadcast_in_dim3A_10, %dot_general3A_5, %broadcast_in_dim3A_11 : vector<1024x1024xi1>, vector<1024x1024xf32>
    %swap3A = arith.constant 0 : index
    %swap3A_12 = arith.constant 0 : index
    %swap3A_13 = vector.load %arg3[%swap3A, %swap3A_12] : memref<1024x1024xf32, #tpu.memory_space<vmem>>, vector<1024x1024xf32>
    tpu.vector_store %arg3[%swap3A, %swap3A_12], %select_n3A {strides = array<i32>} : memref<1024x1024xf32, #tpu.memory_space<vmem>>, vector<1024x1024xf32>,
    %reshape3A = vector.shape_cast %select_n3A : vector<1024x1024xf32> to vector<1024x8x128xf32>
    %reduce_max3A = arith.constant dense<0xFF800000> : vector<1024x8xf32>
    %reduce_max3A_14 = vector.multi_reduction <maximumf>, %reshape3A, %reduce_max3A [2] : vector<1024x8x128xf32> to vector<1024x8xf32>
    %transpose3A = tpu.transpose %reduce_max3A_14, [1, 0] : vector<1024x8xf32> -> vector<8x1024xf32>
    %mul3A_15 = arith.constant 8 : i32
    %mul3A_16 = arith.muli %arg0, %mul3A_15 : i32
    %swap3A_17 = arith.index_cast %mul3A_16 : i32 to index
    %swap3A_18 = arith.constant 0 : index
    %swap3A_19 = vector.load %arg5[%swap3A_17, %swap3A_18] : memref<784x1024xf32, #tpu.memory_space<vmem>>, vector<8x1024xf32>
    tpu.vector_store %arg5[%swap3A_17, %swap3A_18], %transpose3A {strides = array<i32>} : memref<784x1024xf32, #tpu.memory_space<vmem>>, vector<8x1024xf32>,
    %eq3A = arith.constant 97 : i32
    %eq3A_20 = arith.cmpi eq, %arg0, %eq3A : i32
    %convert_element_type3A = arith.extui %eq3A_20 : i1 to i32
    %cond3A = arith.constant 0 : i32
    %cond3A_21 = arith.cmpi ne, %convert_element_type3A, %cond3A : i32
    scf.if %cond3A_21 {
      %get3A_22 = arith.constant 0 : index
      %get3A_23 = arith.constant 0 : index
      %get3A_24 = vector.load %arg5[%get3A_22, %get3A_23] : memref<784x1024xf32, #tpu.memory_space<vmem>>, vector<784x1024xf32>
      %iota3A_25 = tpu.iota {dimensions = array<i32: 0>} : vector<784x1xi32>
      %iota3A_26 = tpu.iota {dimensions = array<i32: 0>} : vector<16x1xi32>
      %broadcast_in_dim3A_27 = arith.constant 0 : i32
      %broadcast_in_dim3A_28 = vector.broadcast %broadcast_in_dim3A_27 : i32 to vector<16x1024xi32>
      %reduce_max3A_29 = arith.constant dense<0xFF800000> : vector<1024xf32>
      %reduce_max3A_30 = vector.multi_reduction <maximumf>, %get3A_24, %reduce_max3A_29 [0] : vector<784x1024xf32> to vector<1024xf32>
      %broadcast_in_dim3A_31 = vector.shape_cast %reduce_max3A_30 : vector<1024xf32> to vector<1x1024xf32>
      %eq3A_32 = vector.broadcast %broadcast_in_dim3A_31 : vector<1x1024xf32> to vector<784x1024xf32>
      %eq3A_33 = arith.cmpf oeq, %get3A_24, %eq3A_32 : vector<784x1024xf32>
      %jit3A_34 = arith.constant 2147483647 : i32
      %broadcast_in_dim3A_35 = vector.shape_cast %iota3A_25 : vector<784x1xi32> to vector<784x1xi32>
      %broadcast_in_dim3A_36 = vector.broadcast %broadcast_in_dim3A_35 : vector<784x1xi32> to vector<784x1024xi32>
      %broadcast_in_dim3A_37 = vector.broadcast %jit3A_34 : i32 to vector<784x1024xi32>
      %select_n3A_38 = arith.select %eq3A_33, %broadcast_in_dim3A_36, %broadcast_in_dim3A_37 : vector<784x1024xi1>, vector<784x1024xi32>
      %reduce_min3A = arith.constant dense<2147483647> : vector<1024xi32>
      %reduce_min3A_39 = vector.multi_reduction <minsi>, %select_n3A_38, %reduce_min3A [0] : vector<784x1024xi32> to vector<1024xi32>
      %broadcast_in_dim3A_40 = vector.shape_cast %reduce_min3A_39 : vector<1024xi32> to vector<1x1024xi32>
      %eq3A_41 = arith.constant 0 : i32
      %eq3A_42 = vector.broadcast %eq3A_41 : i32 to vector<16x1xi32>
      %eq3A_43 = arith.cmpi eq, %iota3A_26, %eq3A_42 : vector<16x1xi32>
      %broadcast_in_dim3A_44 = vector.shape_cast %eq3A_43 : vector<16x1xi1> to vector<16x1xi1>
      %broadcast_in_dim3A_45 = vector.broadcast %broadcast_in_dim3A_44 : vector<16x1xi1> to vector<16x1024xi1>
      %broadcast_in_dim3A_46 = vector.shape_cast %broadcast_in_dim3A_40 : vector<1x1024xi32> to vector<1x1024xi32>
      %broadcast_in_dim3A_47 = vector.broadcast %broadcast_in_dim3A_46 : vector<1x1024xi32> to vector<16x1024xi32>
      %select_n3A_48 = arith.select %broadcast_in_dim3A_45, %broadcast_in_dim3A_47, %broadcast_in_dim3A_28 : vector<16x1024xi1>, vector<16x1024xi32>
      %eq3A_49 = vector.broadcast %iota3A_25 : vector<784x1xi32> to vector<784x1024xi32>
      %eq3A_50 = vector.broadcast %broadcast_in_dim3A_40 : vector<1x1024xi32> to vector<784x1024xi32>
      %eq3A_51 = arith.cmpi eq, %eq3A_49, %eq3A_50 : vector<784x1024xi32>
      %jit3A_52 = arith.constant -3.000000e+00 : f32
      %broadcast_in_dim3A_53 = vector.broadcast %jit3A_52 : f32 to vector<784x1024xf32>
      %select_n3A_54 = arith.select %eq3A_51, %broadcast_in_dim3A_53, %get3A_24 : vector<784x1024xi1>, vector<784x1024xf32>
      %reduce_max3A_55 = arith.constant dense<0xFF800000> : vector<1024xf32>
      %reduce_max3A_56 = vector.multi_reduction <maximumf>, %select_n3A_54, %reduce_max3A_55 [0] : vector<784x1024xf32> to vector<1024xf32>
      %broadcast_in_dim3A_57 = vector.shape_cast %reduce_max3A_56 : vector<1024xf32> to vector<1x1024xf32>
      %eq3A_58 = vector.broadcast %broadcast_in_dim3A_57 : vector<1x1024xf32> to vector<784x1024xf32>
      %eq3A_59 = arith.cmpf oeq, %select_n3A_54, %eq3A_58 : vector<784x1024xf32>
      %jit3A_60 = arith.constant 2147483647 : i32
      %broadcast_in_dim3A_61 = vector.shape_cast %iota3A_25 : vector<784x1xi32> to vector<784x1xi32>
      %broadcast_in_dim3A_62 = vector.broadcast %broadcast_in_dim3A_61 : vector<784x1xi32> to vector<784x1024xi32>
      %broadcast_in_dim3A_63 = vector.broadcast %jit3A_60 : i32 to vector<784x1024xi32>
      %select_n3A_64 = arith.select %eq3A_59, %broadcast_in_dim3A_62, %broadcast_in_dim3A_63 : vector<784x1024xi1>, vector<784x1024xi32>
      %reduce_min3A_65 = arith.constant dense<2147483647> : vector<1024xi32>
      %reduce_min3A_66 = vector.multi_reduction <minsi>, %select_n3A_64, %reduce_min3A_65 [0] : vector<784x1024xi32> to vector<1024xi32>
      %broadcast_in_dim3A_67 = vector.shape_cast %reduce_min3A_66 : vector<1024xi32> to vector<1x1024xi32>
      %eq3A_68 = arith.constant 1 : i32
      %eq3A_69 = vector.broadcast %eq3A_68 : i32 to vector<16x1xi32>
      %eq3A_70 = arith.cmpi eq, %iota3A_26, %eq3A_69 : vector<16x1xi32>
      %broadcast_in_dim3A_71 = vector.shape_cast %eq3A_70 : vector<16x1xi1> to vector<16x1xi1>
      %broadcast_in_dim3A_72 = vector.broadcast %broadcast_in_dim3A_71 : vector<16x1xi1> to vector<16x1024xi1>
      %broadcast_in_dim3A_73 = vector.shape_cast %broadcast_in_dim3A_67 : vector<1x1024xi32> to vector<1x1024xi32>
      %broadcast_in_dim3A_74 = vector.broadcast %broadcast_in_dim3A_73 : vector<1x1024xi32> to vector<16x1024xi32>
      %select_n3A_75 = arith.select %broadcast_in_dim3A_72, %broadcast_in_dim3A_74, %select_n3A_48 : vector<16x1024xi1>, vector<16x1024xi32>
      %eq3A_76 = vector.broadcast %iota3A_25 : vector<784x1xi32> to vector<784x1024xi32>
      %eq3A_77 = vector.broadcast %broadcast_in_dim3A_67 : vector<1x1024xi32> to vector<784x1024xi32>
      %eq3A_78 = arith.cmpi eq, %eq3A_76, %eq3A_77 : vector<784x1024xi32>
      %jit3A_79 = arith.constant -3.000000e+00 : f32
      %broadcast_in_dim3A_80 = vector.broadcast %jit3A_79 : f32 to vector<784x1024xf32>
      %select_n3A_81 = arith.select %eq3A_78, %broadcast_in_dim3A_80, %select_n3A_54 : vector<784x1024xi1>, vector<784x1024xf32>
      %reduce_max3A_82 = arith.constant dense<0xFF800000> : vector<1024xf32>
      %reduce_max3A_83 = vector.multi_reduction <maximumf>, %select_n3A_81, %reduce_max3A_82 [0] : vector<784x1024xf32> to vector<1024xf32>
      %broadcast_in_dim3A_84 = vector.shape_cast %reduce_max3A_83 : vector<1024xf32> to vector<1x1024xf32>
      %eq3A_85 = vector.broadcast %broadcast_in_dim3A_84 : vector<1x1024xf32> to vector<784x1024xf32>
      %eq3A_86 = arith.cmpf oeq, %select_n3A_81, %eq3A_85 : vector<784x1024xf32>
      %jit3A_87 = arith.constant 2147483647 : i32
      %broadcast_in_dim3A_88 = vector.shape_cast %iota3A_25 : vector<784x1xi32> to vector<784x1xi32>
      %broadcast_in_dim3A_89 = vector.broadcast %broadcast_in_dim3A_88 : vector<784x1xi32> to vector<784x1024xi32>
      %broadcast_in_dim3A_90 = vector.broadcast %jit3A_87 : i32 to vector<784x1024xi32>
      %select_n3A_91 = arith.select %eq3A_86, %broadcast_in_dim3A_89, %broadcast_in_dim3A_90 : vector<784x1024xi1>, vector<784x1024xi32>
      %reduce_min3A_92 = arith.constant dense<2147483647> : vector<1024xi32>
      %reduce_min3A_93 = vector.multi_reduction <minsi>, %select_n3A_91, %reduce_min3A_92 [0] : vector<784x1024xi32> to vector<1024xi32>
      %broadcast_in_dim3A_94 = vector.shape_cast %reduce_min3A_93 : vector<1024xi32> to vector<1x1024xi32>
      %eq3A_95 = arith.constant 2 : i32
      %eq3A_96 = vector.broadcast %eq3A_95 : i32 to vector<16x1xi32>
      %eq3A_97 = arith.cmpi eq, %iota3A_26, %eq3A_96 : vector<16x1xi32>
      %broadcast_in_dim3A_98 = vector.shape_cast %eq3A_97 : vector<16x1xi1> to vector<16x1xi1>
      %broadcast_in_dim3A_99 = vector.broadcast %broadcast_in_dim3A_98 : vector<16x1xi1> to vector<16x1024xi1>
      %broadcast_in_dim3A_100 = vector.shape_cast %broadcast_in_dim3A_94 : vector<1x1024xi32> to vector<1x1024xi32>
      %broadcast_in_dim3A_101 = vector.broadcast %broadcast_in_dim3A_100 : vector<1x1024xi32> to vector<16x1024xi32>
      %select_n3A_102 = arith.select %broadcast_in_dim3A_99, %broadcast_in_dim3A_101, %select_n3A_75 : vector<16x1024xi1>, vector<16x1024xi32>
      %eq3A_103 = vector.broadcast %iota3A_25 : vector<784x1xi32> to vector<784x1024xi32>
      %eq3A_104 = vector.broadcast %broadcast_in_dim3A_94 : vector<1x1024xi32> to vector<784x1024xi32>
      %eq3A_105 = arith.cmpi eq, %eq3A_103, %eq3A_104 : vector<784x1024xi32>
      %jit3A_106 = arith.constant -3.000000e+00 : f32
      %broadcast_in_dim3A_107 = vector.broadcast %jit3A_106 : f32 to vector<784x1024xf32>
      %select_n3A_108 = arith.select %eq3A_105, %broadcast_in_dim3A_107, %select_n3A_81 : vector<784x1024xi1>, vector<784x1024xf32>
      %reduce_max3A_109 = arith.constant dense<0xFF800000> : vector<1024xf32>
      %reduce_max3A_110 = vector.multi_reduction <maximumf>, %select_n3A_108, %reduce_max3A_109 [0] : vector<784x1024xf32> to vector<1024xf32>
      %broadcast_in_dim3A_111 = vector.shape_cast %reduce_max3A_110 : vector<1024xf32> to vector<1x1024xf32>
      %eq3A_112 = vector.broadcast %broadcast_in_dim3A_111 : vector<1x1024xf32> to vector<784x1024xf32>
      %eq3A_113 = arith.cmpf oeq, %select_n3A_108, %eq3A_112 : vector<784x1024xf32>
      %jit3A_114 = arith.constant 2147483647 : i32
      %broadcast_in_dim3A_115 = vector.shape_cast %iota3A_25 : vector<784x1xi32> to vector<784x1xi32>
      %broadcast_in_dim3A_116 = vector.broadcast %broadcast_in_dim3A_115 : vector<784x1xi32> to vector<784x1024xi32>
      %broadcast_in_dim3A_117 = vector.broadcast %jit3A_114 : i32 to vector<784x1024xi32>
      %select_n3A_118 = arith.select %eq3A_113, %broadcast_in_dim3A_116, %broadcast_in_dim3A_117 : vector<784x1024xi1>, vector<784x1024xi32>
      %reduce_min3A_119 = arith.constant dense<2147483647> : vector<1024xi32>
      %reduce_min3A_120 = vector.multi_reduction <minsi>, %select_n3A_118, %reduce_min3A_119 [0] : vector<784x1024xi32> to vector<1024xi32>
      %broadcast_in_dim3A_121 = vector.shape_cast %reduce_min3A_120 : vector<1024xi32> to vector<1x1024xi32>
      %eq3A_122 = arith.constant 3 : i32
      %eq3A_123 = vector.broadcast %eq3A_122 : i32 to vector<16x1xi32>
      %eq3A_124 = arith.cmpi eq, %iota3A_26, %eq3A_123 : vector<16x1xi32>
      %broadcast_in_dim3A_125 = vector.shape_cast %eq3A_124 : vector<16x1xi1> to vector<16x1xi1>
      %broadcast_in_dim3A_126 = vector.broadcast %broadcast_in_dim3A_125 : vector<16x1xi1> to vector<16x1024xi1>
      %broadcast_in_dim3A_127 = vector.shape_cast %broadcast_in_dim3A_121 : vector<1x1024xi32> to vector<1x1024xi32>
      %broadcast_in_dim3A_128 = vector.broadcast %broadcast_in_dim3A_127 : vector<1x1024xi32> to vector<16x1024xi32>
      %select_n3A_129 = arith.select %broadcast_in_dim3A_126, %broadcast_in_dim3A_128, %select_n3A_102 : vector<16x1024xi1>, vector<16x1024xi32>
      %eq3A_130 = vector.broadcast %iota3A_25 : vector<784x1xi32> to vector<784x1024xi32>
      %eq3A_131 = vector.broadcast %broadcast_in_dim3A_121 : vector<1x1024xi32> to vector<784x1024xi32>
      %eq3A_132 = arith.cmpi eq, %eq3A_130, %eq3A_131 : vector<784x1024xi32>
      %jit3A_133 = arith.constant -3.000000e+00 : f32
      %broadcast_in_dim3A_134 = vector.broadcast %jit3A_133 : f32 to vector<784x1024xf32>
      %select_n3A_135 = arith.select %eq3A_132, %broadcast_in_dim3A_134, %select_n3A_108 : vector<784x1024xi1>, vector<784x1024xf32>
      %reduce_max3A_136 = arith.constant dense<0xFF800000> : vector<1024xf32>
      %reduce_max3A_137 = vector.multi_reduction <maximumf>, %select_n3A_135, %reduce_max3A_136 [0] : vector<784x1024xf32> to vector<1024xf32>
      %broadcast_in_dim3A_138 = vector.shape_cast %reduce_max3A_137 : vector<1024xf32> to vector<1x1024xf32>
      %eq3A_139 = vector.broadcast %broadcast_in_dim3A_138 : vector<1x1024xf32> to vector<784x1024xf32>
      %eq3A_140 = arith.cmpf oeq, %select_n3A_135, %eq3A_139 : vector<784x1024xf32>
      %jit3A_141 = arith.constant 2147483647 : i32
      %broadcast_in_dim3A_142 = vector.shape_cast %iota3A_25 : vector<784x1xi32> to vector<784x1xi32>
      %broadcast_in_dim3A_143 = vector.broadcast %broadcast_in_dim3A_142 : vector<784x1xi32> to vector<784x1024xi32>
      %broadcast_in_dim3A_144 = vector.broadcast %jit3A_141 : i32 to vector<784x1024xi32>
      %select_n3A_145 = arith.select %eq3A_140, %broadcast_in_dim3A_143, %broadcast_in_dim3A_144 : vector<784x1024xi1>, vector<784x1024xi32>
      %reduce_min3A_146 = arith.constant dense<2147483647> : vector<1024xi32>
      %reduce_min3A_147 = vector.multi_reduction <minsi>, %select_n3A_145, %reduce_min3A_146 [0] : vector<784x1024xi32> to vector<1024xi32>
      %broadcast_in_dim3A_148 = vector.shape_cast %reduce_min3A_147 : vector<1024xi32> to vector<1x1024xi32>
      %eq3A_149 = arith.constant 4 : i32
      %eq3A_150 = vector.broadcast %eq3A_149 : i32 to vector<16x1xi32>
      %eq3A_151 = arith.cmpi eq, %iota3A_26, %eq3A_150 : vector<16x1xi32>
      %broadcast_in_dim3A_152 = vector.shape_cast %eq3A_151 : vector<16x1xi1> to vector<16x1xi1>
      %broadcast_in_dim3A_153 = vector.broadcast %broadcast_in_dim3A_152 : vector<16x1xi1> to vector<16x1024xi1>
      %broadcast_in_dim3A_154 = vector.shape_cast %broadcast_in_dim3A_148 : vector<1x1024xi32> to vector<1x1024xi32>
      %broadcast_in_dim3A_155 = vector.broadcast %broadcast_in_dim3A_154 : vector<1x1024xi32> to vector<16x1024xi32>
      %select_n3A_156 = arith.select %broadcast_in_dim3A_153, %broadcast_in_dim3A_155, %select_n3A_129 : vector<16x1024xi1>, vector<16x1024xi32>
      %eq3A_157 = vector.broadcast %iota3A_25 : vector<784x1xi32> to vector<784x1024xi32>
      %eq3A_158 = vector.broadcast %broadcast_in_dim3A_148 : vector<1x1024xi32> to vector<784x1024xi32>
      %eq3A_159 = arith.cmpi eq, %eq3A_157, %eq3A_158 : vector<784x1024xi32>
      %jit3A_160 = arith.constant -3.000000e+00 : f32
      %broadcast_in_dim3A_161 = vector.broadcast %jit3A_160 : f32 to vector<784x1024xf32>
      %select_n3A_162 = arith.select %eq3A_159, %broadcast_in_dim3A_161, %select_n3A_135 : vector<784x1024xi1>, vector<784x1024xf32>
      %reduce_max3A_163 = arith.constant dense<0xFF800000> : vector<1024xf32>
      %reduce_max3A_164 = vector.multi_reduction <maximumf>, %select_n3A_162, %reduce_max3A_163 [0] : vector<784x1024xf32> to vector<1024xf32>
      %broadcast_in_dim3A_165 = vector.shape_cast %reduce_max3A_164 : vector<1024xf32> to vector<1x1024xf32>
      %eq3A_166 = vector.broadcast %broadcast_in_dim3A_165 : vector<1x1024xf32> to vector<784x1024xf32>
      %eq3A_167 = arith.cmpf oeq, %select_n3A_162, %eq3A_166 : vector<784x1024xf32>
      %jit3A_168 = arith.constant 2147483647 : i32
      %broadcast_in_dim3A_169 = vector.shape_cast %iota3A_25 : vector<784x1xi32> to vector<784x1xi32>
      %broadcast_in_dim3A_170 = vector.broadcast %broadcast_in_dim3A_169 : vector<784x1xi32> to vector<784x1024xi32>
      %broadcast_in_dim3A_171 = vector.broadcast %jit3A_168 : i32 to vector<784x1024xi32>
      %select_n3A_172 = arith.select %eq3A_167, %broadcast_in_dim3A_170, %broadcast_in_dim3A_171 : vector<784x1024xi1>, vector<784x1024xi32>
      %reduce_min3A_173 = arith.constant dense<2147483647> : vector<1024xi32>
      %reduce_min3A_174 = vector.multi_reduction <minsi>, %select_n3A_172, %reduce_min3A_173 [0] : vector<784x1024xi32> to vector<1024xi32>
      %broadcast_in_dim3A_175 = vector.shape_cast %reduce_min3A_174 : vector<1024xi32> to vector<1x1024xi32>
      %eq3A_176 = arith.constant 5 : i32
      %eq3A_177 = vector.broadcast %eq3A_176 : i32 to vector<16x1xi32>
      %eq3A_178 = arith.cmpi eq, %iota3A_26, %eq3A_177 : vector<16x1xi32>
      %broadcast_in_dim3A_179 = vector.shape_cast %eq3A_178 : vector<16x1xi1> to vector<16x1xi1>
      %broadcast_in_dim3A_180 = vector.broadcast %broadcast_in_dim3A_179 : vector<16x1xi1> to vector<16x1024xi1>
      %broadcast_in_dim3A_181 = vector.shape_cast %broadcast_in_dim3A_175 : vector<1x1024xi32> to vector<1x1024xi32>
      %broadcast_in_dim3A_182 = vector.broadcast %broadcast_in_dim3A_181 : vector<1x1024xi32> to vector<16x1024xi32>
      %select_n3A_183 = arith.select %broadcast_in_dim3A_180, %broadcast_in_dim3A_182, %select_n3A_156 : vector<16x1024xi1>, vector<16x1024xi32>
      %eq3A_184 = vector.broadcast %iota3A_25 : vector<784x1xi32> to vector<784x1024xi32>
      %eq3A_185 = vector.broadcast %broadcast_in_dim3A_175 : vector<1x1024xi32> to vector<784x1024xi32>
      %eq3A_186 = arith.cmpi eq, %eq3A_184, %eq3A_185 : vector<784x1024xi32>
      %jit3A_187 = arith.constant -3.000000e+00 : f32
      %broadcast_in_dim3A_188 = vector.broadcast %jit3A_187 : f32 to vector<784x1024xf32>
      %select_n3A_189 = arith.select %eq3A_186, %broadcast_in_dim3A_188, %select_n3A_162 : vector<784x1024xi1>, vector<784x1024xf32>
      %reduce_max3A_190 = arith.constant dense<0xFF800000> : vector<1024xf32>
      %reduce_max3A_191 = vector.multi_reduction <maximumf>, %select_n3A_189, %reduce_max3A_190 [0] : vector<784x1024xf32> to vector<1024xf32>
      %broadcast_in_dim3A_192 = vector.shape_cast %reduce_max3A_191 : vector<1024xf32> to vector<1x1024xf32>
      %eq3A_193 = vector.broadcast %broadcast_in_dim3A_192 : vector<1x1024xf32> to vector<784x1024xf32>
      %eq3A_194 = arith.cmpf oeq, %select_n3A_189, %eq3A_193 : vector<784x1024xf32>
      %jit3A_195 = arith.constant 2147483647 : i32
      %broadcast_in_dim3A_196 = vector.shape_cast %iota3A_25 : vector<784x1xi32> to vector<784x1xi32>
      %broadcast_in_dim3A_197 = vector.broadcast %broadcast_in_dim3A_196 : vector<784x1xi32> to vector<784x1024xi32>
      %broadcast_in_dim3A_198 = vector.broadcast %jit3A_195 : i32 to vector<784x1024xi32>
      %select_n3A_199 = arith.select %eq3A_194, %broadcast_in_dim3A_197, %broadcast_in_dim3A_198 : vector<784x1024xi1>, vector<784x1024xi32>
      %reduce_min3A_200 = arith.constant dense<2147483647> : vector<1024xi32>
      %reduce_min3A_201 = vector.multi_reduction <minsi>, %select_n3A_199, %reduce_min3A_200 [0] : vector<784x1024xi32> to vector<1024xi32>
      %broadcast_in_dim3A_202 = vector.shape_cast %reduce_min3A_201 : vector<1024xi32> to vector<1x1024xi32>
      %eq3A_203 = arith.constant 6 : i32
      %eq3A_204 = vector.broadcast %eq3A_203 : i32 to vector<16x1xi32>
      %eq3A_205 = arith.cmpi eq, %iota3A_26, %eq3A_204 : vector<16x1xi32>
      %broadcast_in_dim3A_206 = vector.shape_cast %eq3A_205 : vector<16x1xi1> to vector<16x1xi1>
      %broadcast_in_dim3A_207 = vector.broadcast %broadcast_in_dim3A_206 : vector<16x1xi1> to vector<16x1024xi1>
      %broadcast_in_dim3A_208 = vector.shape_cast %broadcast_in_dim3A_202 : vector<1x1024xi32> to vector<1x1024xi32>
      %broadcast_in_dim3A_209 = vector.broadcast %broadcast_in_dim3A_208 : vector<1x1024xi32> to vector<16x1024xi32>
      %select_n3A_210 = arith.select %broadcast_in_dim3A_207, %broadcast_in_dim3A_209, %select_n3A_183 : vector<16x1024xi1>, vector<16x1024xi32>
      %eq3A_211 = vector.broadcast %iota3A_25 : vector<784x1xi32> to vector<784x1024xi32>
      %eq3A_212 = vector.broadcast %broadcast_in_dim3A_202 : vector<1x1024xi32> to vector<784x1024xi32>
      %eq3A_213 = arith.cmpi eq, %eq3A_211, %eq3A_212 : vector<784x1024xi32>
      %jit3A_214 = arith.constant -3.000000e+00 : f32
      %broadcast_in_dim3A_215 = vector.broadcast %jit3A_214 : f32 to vector<784x1024xf32>
      %select_n3A_216 = arith.select %eq3A_213, %broadcast_in_dim3A_215, %select_n3A_189 : vector<784x1024xi1>, vector<784x1024xf32>
      %reduce_max3A_217 = arith.constant dense<0xFF800000> : vector<1024xf32>
      %reduce_max3A_218 = vector.multi_reduction <maximumf>, %select_n3A_216, %reduce_max3A_217 [0] : vector<784x1024xf32> to vector<1024xf32>
      %broadcast_in_dim3A_219 = vector.shape_cast %reduce_max3A_218 : vector<1024xf32> to vector<1x1024xf32>
      %eq3A_220 = vector.broadcast %broadcast_in_dim3A_219 : vector<1x1024xf32> to vector<784x1024xf32>
      %eq3A_221 = arith.cmpf oeq, %select_n3A_216, %eq3A_220 : vector<784x1024xf32>
      %jit3A_222 = arith.constant 2147483647 : i32
      %broadcast_in_dim3A_223 = vector.shape_cast %iota3A_25 : vector<784x1xi32> to vector<784x1xi32>
      %broadcast_in_dim3A_224 = vector.broadcast %broadcast_in_dim3A_223 : vector<784x1xi32> to vector<784x1024xi32>
      %broadcast_in_dim3A_225 = vector.broadcast %jit3A_222 : i32 to vector<784x1024xi32>
      %select_n3A_226 = arith.select %eq3A_221, %broadcast_in_dim3A_224, %broadcast_in_dim3A_225 : vector<784x1024xi1>, vector<784x1024xi32>
      %reduce_min3A_227 = arith.constant dense<2147483647> : vector<1024xi32>
      %reduce_min3A_228 = vector.multi_reduction <minsi>, %select_n3A_226, %reduce_min3A_227 [0] : vector<784x1024xi32> to vector<1024xi32>
      %broadcast_in_dim3A_229 = vector.shape_cast %reduce_min3A_228 : vector<1024xi32> to vector<1x1024xi32>
      %eq3A_230 = arith.constant 7 : i32
      %eq3A_231 = vector.broadcast %eq3A_230 : i32 to vector<16x1xi32>
      %eq3A_232 = arith.cmpi eq, %iota3A_26, %eq3A_231 : vector<16x1xi32>
      %broadcast_in_dim3A_233 = vector.shape_cast %eq3A_232 : vector<16x1xi1> to vector<16x1xi1>
      %broadcast_in_dim3A_234 = vector.broadcast %broadcast_in_dim3A_233 : vector<16x1xi1> to vector<16x1024xi1>
      %broadcast_in_dim3A_235 = vector.shape_cast %broadcast_in_dim3A_229 : vector<1x1024xi32> to vector<1x1024xi32>
      %broadcast_in_dim3A_236 = vector.broadcast %broadcast_in_dim3A_235 : vector<1x1024xi32> to vector<16x1024xi32>
      %select_n3A_237 = arith.select %broadcast_in_dim3A_234, %broadcast_in_dim3A_236, %select_n3A_210 : vector<16x1024xi1>, vector<16x1024xi32>
      %eq3A_238 = vector.broadcast %iota3A_25 : vector<784x1xi32> to vector<784x1024xi32>
      %eq3A_239 = vector.broadcast %broadcast_in_dim3A_229 : vector<1x1024xi32> to vector<784x1024xi32>
      %eq3A_240 = arith.cmpi eq, %eq3A_238, %eq3A_239 : vector<784x1024xi32>
      %jit3A_241 = arith.constant -3.000000e+00 : f32
      %broadcast_in_dim3A_242 = vector.broadcast %jit3A_241 : f32 to vector<784x1024xf32>
      %select_n3A_243 = arith.select %eq3A_240, %broadcast_in_dim3A_242, %select_n3A_216 : vector<784x1024xi1>, vector<784x1024xf32>
      %reduce_max3A_244 = arith.constant dense<0xFF800000> : vector<1024xf32>
      %reduce_max3A_245 = vector.multi_reduction <maximumf>, %select_n3A_243, %reduce_max3A_244 [0] : vector<784x1024xf32> to vector<1024xf32>
      %broadcast_in_dim3A_246 = vector.shape_cast %reduce_max3A_245 : vector<1024xf32> to vector<1x1024xf32>
      %eq3A_247 = vector.broadcast %broadcast_in_dim3A_246 : vector<1x1024xf32> to vector<784x1024xf32>
      %eq3A_248 = arith.cmpf oeq, %select_n3A_243, %eq3A_247 : vector<784x1024xf32>
      %jit3A_249 = arith.constant 2147483647 : i32
      %broadcast_in_dim3A_250 = vector.shape_cast %iota3A_25 : vector<784x1xi32> to vector<784x1xi32>
      %broadcast_in_dim3A_251 = vector.broadcast %broadcast_in_dim3A_250 : vector<784x1xi32> to vector<784x1024xi32>
      %broadcast_in_dim3A_252 = vector.broadcast %jit3A_249 : i32 to vector<784x1024xi32>
      %select_n3A_253 = arith.select %eq3A_248, %broadcast_in_dim3A_251, %broadcast_in_dim3A_252 : vector<784x1024xi1>, vector<784x1024xi32>
      %reduce_min3A_254 = arith.constant dense<2147483647> : vector<1024xi32>
      %reduce_min3A_255 = vector.multi_reduction <minsi>, %select_n3A_253, %reduce_min3A_254 [0] : vector<784x1024xi32> to vector<1024xi32>
      %broadcast_in_dim3A_256 = vector.shape_cast %reduce_min3A_255 : vector<1024xi32> to vector<1x1024xi32>
      %eq3A_257 = arith.constant 8 : i32
      %eq3A_258 = vector.broadcast %eq3A_257 : i32 to vector<16x1xi32>
      %eq3A_259 = arith.cmpi eq, %iota3A_26, %eq3A_258 : vector<16x1xi32>
      %broadcast_in_dim3A_260 = vector.shape_cast %eq3A_259 : vector<16x1xi1> to vector<16x1xi1>
      %broadcast_in_dim3A_261 = vector.broadcast %broadcast_in_dim3A_260 : vector<16x1xi1> to vector<16x1024xi1>
      %broadcast_in_dim3A_262 = vector.shape_cast %broadcast_in_dim3A_256 : vector<1x1024xi32> to vector<1x1024xi32>
      %broadcast_in_dim3A_263 = vector.broadcast %broadcast_in_dim3A_262 : vector<1x1024xi32> to vector<16x1024xi32>
      %select_n3A_264 = arith.select %broadcast_in_dim3A_261, %broadcast_in_dim3A_263, %select_n3A_237 : vector<16x1024xi1>, vector<16x1024xi32>
      %eq3A_265 = vector.broadcast %iota3A_25 : vector<784x1xi32> to vector<784x1024xi32>
      %eq3A_266 = vector.broadcast %broadcast_in_dim3A_256 : vector<1x1024xi32> to vector<784x1024xi32>
      %eq3A_267 = arith.cmpi eq, %eq3A_265, %eq3A_266 : vector<784x1024xi32>
      %jit3A_268 = arith.constant -3.000000e+00 : f32
      %broadcast_in_dim3A_269 = vector.broadcast %jit3A_268 : f32 to vector<784x1024xf32>
      %select_n3A_270 = arith.select %eq3A_267, %broadcast_in_dim3A_269, %select_n3A_243 : vector<784x1024xi1>, vector<784x1024xf32>
      %reduce_max3A_271 = arith.constant dense<0xFF800000> : vector<1024xf32>
      %reduce_max3A_272 = vector.multi_reduction <maximumf>, %select_n3A_270, %reduce_max3A_271 [0] : vector<784x1024xf32> to vector<1024xf32>
      %broadcast_in_dim3A_273 = vector.shape_cast %reduce_max3A_272 : vector<1024xf32> to vector<1x1024xf32>
      %eq3A_274 = vector.broadcast %broadcast_in_dim3A_273 : vector<1x1024xf32> to vector<784x1024xf32>
      %eq3A_275 = arith.cmpf oeq, %select_n3A_270, %eq3A_274 : vector<784x1024xf32>
      %jit3A_276 = arith.constant 2147483647 : i32
      %broadcast_in_dim3A_277 = vector.shape_cast %iota3A_25 : vector<784x1xi32> to vector<784x1xi32>
      %broadcast_in_dim3A_278 = vector.broadcast %broadcast_in_dim3A_277 : vector<784x1xi32> to vector<784x1024xi32>
      %broadcast_in_dim3A_279 = vector.broadcast %jit3A_276 : i32 to vector<784x1024xi32>
      %select_n3A_280 = arith.select %eq3A_275, %broadcast_in_dim3A_278, %broadcast_in_dim3A_279 : vector<784x1024xi1>, vector<784x1024xi32>
      %reduce_min3A_281 = arith.constant dense<2147483647> : vector<1024xi32>
      %reduce_min3A_282 = vector.multi_reduction <minsi>, %select_n3A_280, %reduce_min3A_281 [0] : vector<784x1024xi32> to vector<1024xi32>
      %broadcast_in_dim3A_283 = vector.shape_cast %reduce_min3A_282 : vector<1024xi32> to vector<1x1024xi32>
      %eq3A_284 = arith.constant 9 : i32
      %eq3A_285 = vector.broadcast %eq3A_284 : i32 to vector<16x1xi32>
      %eq3A_286 = arith.cmpi eq, %iota3A_26, %eq3A_285 : vector<16x1xi32>
      %broadcast_in_dim3A_287 = vector.shape_cast %eq3A_286 : vector<16x1xi1> to vector<16x1xi1>
      %broadcast_in_dim3A_288 = vector.broadcast %broadcast_in_dim3A_287 : vector<16x1xi1> to vector<16x1024xi1>
      %broadcast_in_dim3A_289 = vector.shape_cast %broadcast_in_dim3A_283 : vector<1x1024xi32> to vector<1x1024xi32>
      %broadcast_in_dim3A_290 = vector.broadcast %broadcast_in_dim3A_289 : vector<1x1024xi32> to vector<16x1024xi32>
      %select_n3A_291 = arith.select %broadcast_in_dim3A_288, %broadcast_in_dim3A_290, %select_n3A_264 : vector<16x1024xi1>, vector<16x1024xi32>
      %swap3A_292 = arith.constant 0 : index
      %swap3A_293 = arith.constant 0 : index
      %swap3A_294 = vector.load %arg4[%swap3A_292, %swap3A_293] : memref<16x1024xi32, #tpu.memory_space<vmem>>, vector<16x1024xi32>
      tpu.vector_store %arg4[%swap3A_292, %swap3A_293], %select_n3A_291 {strides = array<i32>} : memref<16x1024xi32, #tpu.memory_space<vmem>>, vector<16x1024xi32>,
    } else {
    }
    return
  }
  func.func @transform_0(%arg0: i32) -> (i32, i32) {
    %c0_i32 = arith.constant 0 : i32
    %c0_i32_0 = arith.constant 0 : i32
    %c0_i32_1 = arith.constant 0 : i32
    return %c0_i32, %c0_i32_0 : i32, i32
  }
  func.func @transform_1(%arg0: i32) -> (i32, i32) {
    %c0_i32 = arith.constant 0 : i32
    %c0_i32_0 = arith.constant 0 : i32
    return %arg0, %c0_i32 : i32, i32
  }
  func.func @transform_2(%arg0: i32) -> (i32, i32) {
    %c0_i32 = arith.constant 0 : i32
    %c0_i32_0 = arith.constant 0 : i32
    return %c0_i32, %arg0 : i32, i32
  }
  func.func @transform_3(%arg0: i32) -> (i32, i32) {
    %c0_i32 = arith.constant 0 : i32
    %c0_i32_0 = arith.constant 0 : i32
    %c0_i32_1 = arith.constant 0 : i32
    return %c0_i32, %c0_i32_0 : i32, i32
  }
}

module attributes {stable_mosaic.version = 14 : i64} {
  func.func @_topk_kernel(%arg0: memref<1024x1280xf32, #tpu.memory_space<vmem>>, %arg1: memref<1024x1280xi32, #tpu.memory_space<vmem>>, %arg2: memref<1024x16xf32, #tpu.memory_space<vmem>>, %arg3: memref<1024x16xi32, #tpu.memory_space<vmem>>) attributes {dimension_semantics = [], scalar_prefetch = 0 : i64, scratch_operands = 0 : i64, tpu.core_type = #tpu.core_type<tc>} {
    %get3A = arith.constant 0 : index
    %get3A_0 = arith.constant 0 : index
    %get3A_1 = vector.load %arg0[%get3A, %get3A_0] : memref<1024x1280xf32, #tpu.memory_space<vmem>>, vector<1024x1280xf32>
    %get3A_2 = arith.constant 0 : index
    %get3A_3 = arith.constant 0 : index
    %get3A_4 = vector.load %arg1[%get3A_2, %get3A_3] : memref<1024x1280xi32, #tpu.memory_space<vmem>>, vector<1024x1280xi32>
    %lt3A = arith.constant 100000 : i32
    %lt3A_5 = vector.broadcast %lt3A : i32 to vector<1024x1280xi32>
    %lt3A_6 = arith.cmpi slt, %get3A_4, %lt3A_5 : vector<1024x1280xi32>
    %jit3A = arith.constant -3.000000e+00 : f32
    %broadcast_in_dim3A = vector.broadcast %jit3A : f32 to vector<1024x1280xf32>
    %select_n3A = arith.select %lt3A_6, %get3A_1, %broadcast_in_dim3A : vector<1024x1280xi1>, vector<1024x1280xf32>
    %iota3A = tpu.iota {dimensions = array<i32: 1>} : vector<1x16xi32>
    %broadcast_in_dim3A_7 = arith.constant -3.000000e+00 : f32
    %broadcast_in_dim3A_8 = vector.broadcast %broadcast_in_dim3A_7 : f32 to vector<1024x16xf32>
    %broadcast_in_dim3A_9 = arith.constant 0 : i32
    %broadcast_in_dim3A_10 = vector.broadcast %broadcast_in_dim3A_9 : i32 to vector<1024x16xi32>
    %reduce_max3A = arith.constant dense<0xFF800000> : vector<1024xf32>
    %reduce_max3A_11 = vector.multi_reduction <maximumf>, %select_n3A, %reduce_max3A [1] : vector<1024x1280xf32> to vector<1024xf32>
    %broadcast_in_dim3A_12 = vector.shape_cast %reduce_max3A_11 : vector<1024xf32> to vector<1024x1xf32>
    %eq3A = vector.broadcast %broadcast_in_dim3A_12 : vector<1024x1xf32> to vector<1024x1280xf32>
    %eq3A_13 = arith.cmpf oeq, %select_n3A, %eq3A : vector<1024x1280xf32>
    %jit3A_14 = arith.constant 2147483647 : i32
    %broadcast_in_dim3A_15 = vector.broadcast %jit3A_14 : i32 to vector<1024x1280xi32>
    %select_n3A_16 = arith.select %eq3A_13, %get3A_4, %broadcast_in_dim3A_15 : vector<1024x1280xi1>, vector<1024x1280xi32>
    %reduce_min3A = arith.constant dense<2147483647> : vector<1024xi32>
    %reduce_min3A_17 = vector.multi_reduction <minsi>, %select_n3A_16, %reduce_min3A [1] : vector<1024x1280xi32> to vector<1024xi32>
    %broadcast_in_dim3A_18 = vector.shape_cast %reduce_min3A_17 : vector<1024xi32> to vector<1024x1xi32>
    %eq3A_19 = arith.constant 0 : i32
    %eq3A_20 = vector.broadcast %eq3A_19 : i32 to vector<1x16xi32>
    %eq3A_21 = arith.cmpi eq, %iota3A, %eq3A_20 : vector<1x16xi32>
    %broadcast_in_dim3A_22 = vector.shape_cast %eq3A_21 : vector<1x16xi1> to vector<1x16xi1>
    %broadcast_in_dim3A_23 = vector.broadcast %broadcast_in_dim3A_22 : vector<1x16xi1> to vector<1024x16xi1>
    %broadcast_in_dim3A_24 = vector.shape_cast %broadcast_in_dim3A_12 : vector<1024x1xf32> to vector<1024x1xf32>
    %broadcast_in_dim3A_25 = vector.broadcast %broadcast_in_dim3A_24 : vector<1024x1xf32> to vector<1024x16xf32>
    %select_n3A_26 = arith.select %broadcast_in_dim3A_23, %broadcast_in_dim3A_25, %broadcast_in_dim3A_8 : vector<1024x16xi1>, vector<1024x16xf32>
    %eq3A_27 = arith.constant 0 : i32
    %eq3A_28 = vector.broadcast %eq3A_27 : i32 to vector<1x16xi32>
    %eq3A_29 = arith.cmpi eq, %iota3A, %eq3A_28 : vector<1x16xi32>
    %broadcast_in_dim3A_30 = vector.shape_cast %eq3A_29 : vector<1x16xi1> to vector<1x16xi1>
    %broadcast_in_dim3A_31 = vector.broadcast %broadcast_in_dim3A_30 : vector<1x16xi1> to vector<1024x16xi1>
    %broadcast_in_dim3A_32 = vector.shape_cast %broadcast_in_dim3A_18 : vector<1024x1xi32> to vector<1024x1xi32>
    %broadcast_in_dim3A_33 = vector.broadcast %broadcast_in_dim3A_32 : vector<1024x1xi32> to vector<1024x16xi32>
    %select_n3A_34 = arith.select %broadcast_in_dim3A_31, %broadcast_in_dim3A_33, %broadcast_in_dim3A_10 : vector<1024x16xi1>, vector<1024x16xi32>
    %eq3A_35 = vector.broadcast %broadcast_in_dim3A_18 : vector<1024x1xi32> to vector<1024x1280xi32>
    %eq3A_36 = arith.cmpi eq, %get3A_4, %eq3A_35 : vector<1024x1280xi32>
    %jit3A_37 = arith.constant -3.000000e+00 : f32
    %broadcast_in_dim3A_38 = vector.broadcast %jit3A_37 : f32 to vector<1024x1280xf32>
    %select_n3A_39 = arith.select %eq3A_36, %broadcast_in_dim3A_38, %select_n3A : vector<1024x1280xi1>, vector<1024x1280xf32>
    %reduce_max3A_40 = arith.constant dense<0xFF800000> : vector<1024xf32>
    %reduce_max3A_41 = vector.multi_reduction <maximumf>, %select_n3A_39, %reduce_max3A_40 [1] : vector<1024x1280xf32> to vector<1024xf32>
    %broadcast_in_dim3A_42 = vector.shape_cast %reduce_max3A_41 : vector<1024xf32> to vector<1024x1xf32>
    %eq3A_43 = vector.broadcast %broadcast_in_dim3A_42 : vector<1024x1xf32> to vector<1024x1280xf32>
    %eq3A_44 = arith.cmpf oeq, %select_n3A_39, %eq3A_43 : vector<1024x1280xf32>
    %jit3A_45 = arith.constant 2147483647 : i32
    %broadcast_in_dim3A_46 = vector.broadcast %jit3A_45 : i32 to vector<1024x1280xi32>
    %select_n3A_47 = arith.select %eq3A_44, %get3A_4, %broadcast_in_dim3A_46 : vector<1024x1280xi1>, vector<1024x1280xi32>
    %reduce_min3A_48 = arith.constant dense<2147483647> : vector<1024xi32>
    %reduce_min3A_49 = vector.multi_reduction <minsi>, %select_n3A_47, %reduce_min3A_48 [1] : vector<1024x1280xi32> to vector<1024xi32>
    %broadcast_in_dim3A_50 = vector.shape_cast %reduce_min3A_49 : vector<1024xi32> to vector<1024x1xi32>
    %eq3A_51 = arith.constant 1 : i32
    %eq3A_52 = vector.broadcast %eq3A_51 : i32 to vector<1x16xi32>
    %eq3A_53 = arith.cmpi eq, %iota3A, %eq3A_52 : vector<1x16xi32>
    %broadcast_in_dim3A_54 = vector.shape_cast %eq3A_53 : vector<1x16xi1> to vector<1x16xi1>
    %broadcast_in_dim3A_55 = vector.broadcast %broadcast_in_dim3A_54 : vector<1x16xi1> to vector<1024x16xi1>
    %broadcast_in_dim3A_56 = vector.shape_cast %broadcast_in_dim3A_42 : vector<1024x1xf32> to vector<1024x1xf32>
    %broadcast_in_dim3A_57 = vector.broadcast %broadcast_in_dim3A_56 : vector<1024x1xf32> to vector<1024x16xf32>
    %select_n3A_58 = arith.select %broadcast_in_dim3A_55, %broadcast_in_dim3A_57, %select_n3A_26 : vector<1024x16xi1>, vector<1024x16xf32>
    %eq3A_59 = arith.constant 1 : i32
    %eq3A_60 = vector.broadcast %eq3A_59 : i32 to vector<1x16xi32>
    %eq3A_61 = arith.cmpi eq, %iota3A, %eq3A_60 : vector<1x16xi32>
    %broadcast_in_dim3A_62 = vector.shape_cast %eq3A_61 : vector<1x16xi1> to vector<1x16xi1>
    %broadcast_in_dim3A_63 = vector.broadcast %broadcast_in_dim3A_62 : vector<1x16xi1> to vector<1024x16xi1>
    %broadcast_in_dim3A_64 = vector.shape_cast %broadcast_in_dim3A_50 : vector<1024x1xi32> to vector<1024x1xi32>
    %broadcast_in_dim3A_65 = vector.broadcast %broadcast_in_dim3A_64 : vector<1024x1xi32> to vector<1024x16xi32>
    %select_n3A_66 = arith.select %broadcast_in_dim3A_63, %broadcast_in_dim3A_65, %select_n3A_34 : vector<1024x16xi1>, vector<1024x16xi32>
    %eq3A_67 = vector.broadcast %broadcast_in_dim3A_50 : vector<1024x1xi32> to vector<1024x1280xi32>
    %eq3A_68 = arith.cmpi eq, %get3A_4, %eq3A_67 : vector<1024x1280xi32>
    %jit3A_69 = arith.constant -3.000000e+00 : f32
    %broadcast_in_dim3A_70 = vector.broadcast %jit3A_69 : f32 to vector<1024x1280xf32>
    %select_n3A_71 = arith.select %eq3A_68, %broadcast_in_dim3A_70, %select_n3A_39 : vector<1024x1280xi1>, vector<1024x1280xf32>
    %reduce_max3A_72 = arith.constant dense<0xFF800000> : vector<1024xf32>
    %reduce_max3A_73 = vector.multi_reduction <maximumf>, %select_n3A_71, %reduce_max3A_72 [1] : vector<1024x1280xf32> to vector<1024xf32>
    %broadcast_in_dim3A_74 = vector.shape_cast %reduce_max3A_73 : vector<1024xf32> to vector<1024x1xf32>
    %eq3A_75 = vector.broadcast %broadcast_in_dim3A_74 : vector<1024x1xf32> to vector<1024x1280xf32>
    %eq3A_76 = arith.cmpf oeq, %select_n3A_71, %eq3A_75 : vector<1024x1280xf32>
    %jit3A_77 = arith.constant 2147483647 : i32
    %broadcast_in_dim3A_78 = vector.broadcast %jit3A_77 : i32 to vector<1024x1280xi32>
    %select_n3A_79 = arith.select %eq3A_76, %get3A_4, %broadcast_in_dim3A_78 : vector<1024x1280xi1>, vector<1024x1280xi32>
    %reduce_min3A_80 = arith.constant dense<2147483647> : vector<1024xi32>
    %reduce_min3A_81 = vector.multi_reduction <minsi>, %select_n3A_79, %reduce_min3A_80 [1] : vector<1024x1280xi32> to vector<1024xi32>
    %broadcast_in_dim3A_82 = vector.shape_cast %reduce_min3A_81 : vector<1024xi32> to vector<1024x1xi32>
    %eq3A_83 = arith.constant 2 : i32
    %eq3A_84 = vector.broadcast %eq3A_83 : i32 to vector<1x16xi32>
    %eq3A_85 = arith.cmpi eq, %iota3A, %eq3A_84 : vector<1x16xi32>
    %broadcast_in_dim3A_86 = vector.shape_cast %eq3A_85 : vector<1x16xi1> to vector<1x16xi1>
    %broadcast_in_dim3A_87 = vector.broadcast %broadcast_in_dim3A_86 : vector<1x16xi1> to vector<1024x16xi1>
    %broadcast_in_dim3A_88 = vector.shape_cast %broadcast_in_dim3A_74 : vector<1024x1xf32> to vector<1024x1xf32>
    %broadcast_in_dim3A_89 = vector.broadcast %broadcast_in_dim3A_88 : vector<1024x1xf32> to vector<1024x16xf32>
    %select_n3A_90 = arith.select %broadcast_in_dim3A_87, %broadcast_in_dim3A_89, %select_n3A_58 : vector<1024x16xi1>, vector<1024x16xf32>
    %eq3A_91 = arith.constant 2 : i32
    %eq3A_92 = vector.broadcast %eq3A_91 : i32 to vector<1x16xi32>
    %eq3A_93 = arith.cmpi eq, %iota3A, %eq3A_92 : vector<1x16xi32>
    %broadcast_in_dim3A_94 = vector.shape_cast %eq3A_93 : vector<1x16xi1> to vector<1x16xi1>
    %broadcast_in_dim3A_95 = vector.broadcast %broadcast_in_dim3A_94 : vector<1x16xi1> to vector<1024x16xi1>
    %broadcast_in_dim3A_96 = vector.shape_cast %broadcast_in_dim3A_82 : vector<1024x1xi32> to vector<1024x1xi32>
    %broadcast_in_dim3A_97 = vector.broadcast %broadcast_in_dim3A_96 : vector<1024x1xi32> to vector<1024x16xi32>
    %select_n3A_98 = arith.select %broadcast_in_dim3A_95, %broadcast_in_dim3A_97, %select_n3A_66 : vector<1024x16xi1>, vector<1024x16xi32>
    %eq3A_99 = vector.broadcast %broadcast_in_dim3A_82 : vector<1024x1xi32> to vector<1024x1280xi32>
    %eq3A_100 = arith.cmpi eq, %get3A_4, %eq3A_99 : vector<1024x1280xi32>
    %jit3A_101 = arith.constant -3.000000e+00 : f32
    %broadcast_in_dim3A_102 = vector.broadcast %jit3A_101 : f32 to vector<1024x1280xf32>
    %select_n3A_103 = arith.select %eq3A_100, %broadcast_in_dim3A_102, %select_n3A_71 : vector<1024x1280xi1>, vector<1024x1280xf32>
    %reduce_max3A_104 = arith.constant dense<0xFF800000> : vector<1024xf32>
    %reduce_max3A_105 = vector.multi_reduction <maximumf>, %select_n3A_103, %reduce_max3A_104 [1] : vector<1024x1280xf32> to vector<1024xf32>
    %broadcast_in_dim3A_106 = vector.shape_cast %reduce_max3A_105 : vector<1024xf32> to vector<1024x1xf32>
    %eq3A_107 = vector.broadcast %broadcast_in_dim3A_106 : vector<1024x1xf32> to vector<1024x1280xf32>
    %eq3A_108 = arith.cmpf oeq, %select_n3A_103, %eq3A_107 : vector<1024x1280xf32>
    %jit3A_109 = arith.constant 2147483647 : i32
    %broadcast_in_dim3A_110 = vector.broadcast %jit3A_109 : i32 to vector<1024x1280xi32>
    %select_n3A_111 = arith.select %eq3A_108, %get3A_4, %broadcast_in_dim3A_110 : vector<1024x1280xi1>, vector<1024x1280xi32>
    %reduce_min3A_112 = arith.constant dense<2147483647> : vector<1024xi32>
    %reduce_min3A_113 = vector.multi_reduction <minsi>, %select_n3A_111, %reduce_min3A_112 [1] : vector<1024x1280xi32> to vector<1024xi32>
    %broadcast_in_dim3A_114 = vector.shape_cast %reduce_min3A_113 : vector<1024xi32> to vector<1024x1xi32>
    %eq3A_115 = arith.constant 3 : i32
    %eq3A_116 = vector.broadcast %eq3A_115 : i32 to vector<1x16xi32>
    %eq3A_117 = arith.cmpi eq, %iota3A, %eq3A_116 : vector<1x16xi32>
    %broadcast_in_dim3A_118 = vector.shape_cast %eq3A_117 : vector<1x16xi1> to vector<1x16xi1>
    %broadcast_in_dim3A_119 = vector.broadcast %broadcast_in_dim3A_118 : vector<1x16xi1> to vector<1024x16xi1>
    %broadcast_in_dim3A_120 = vector.shape_cast %broadcast_in_dim3A_106 : vector<1024x1xf32> to vector<1024x1xf32>
    %broadcast_in_dim3A_121 = vector.broadcast %broadcast_in_dim3A_120 : vector<1024x1xf32> to vector<1024x16xf32>
    %select_n3A_122 = arith.select %broadcast_in_dim3A_119, %broadcast_in_dim3A_121, %select_n3A_90 : vector<1024x16xi1>, vector<1024x16xf32>
    %eq3A_123 = arith.constant 3 : i32
    %eq3A_124 = vector.broadcast %eq3A_123 : i32 to vector<1x16xi32>
    %eq3A_125 = arith.cmpi eq, %iota3A, %eq3A_124 : vector<1x16xi32>
    %broadcast_in_dim3A_126 = vector.shape_cast %eq3A_125 : vector<1x16xi1> to vector<1x16xi1>
    %broadcast_in_dim3A_127 = vector.broadcast %broadcast_in_dim3A_126 : vector<1x16xi1> to vector<1024x16xi1>
    %broadcast_in_dim3A_128 = vector.shape_cast %broadcast_in_dim3A_114 : vector<1024x1xi32> to vector<1024x1xi32>
    %broadcast_in_dim3A_129 = vector.broadcast %broadcast_in_dim3A_128 : vector<1024x1xi32> to vector<1024x16xi32>
    %select_n3A_130 = arith.select %broadcast_in_dim3A_127, %broadcast_in_dim3A_129, %select_n3A_98 : vector<1024x16xi1>, vector<1024x16xi32>
    %eq3A_131 = vector.broadcast %broadcast_in_dim3A_114 : vector<1024x1xi32> to vector<1024x1280xi32>
    %eq3A_132 = arith.cmpi eq, %get3A_4, %eq3A_131 : vector<1024x1280xi32>
    %jit3A_133 = arith.constant -3.000000e+00 : f32
    %broadcast_in_dim3A_134 = vector.broadcast %jit3A_133 : f32 to vector<1024x1280xf32>
    %select_n3A_135 = arith.select %eq3A_132, %broadcast_in_dim3A_134, %select_n3A_103 : vector<1024x1280xi1>, vector<1024x1280xf32>
    %reduce_max3A_136 = arith.constant dense<0xFF800000> : vector<1024xf32>
    %reduce_max3A_137 = vector.multi_reduction <maximumf>, %select_n3A_135, %reduce_max3A_136 [1] : vector<1024x1280xf32> to vector<1024xf32>
    %broadcast_in_dim3A_138 = vector.shape_cast %reduce_max3A_137 : vector<1024xf32> to vector<1024x1xf32>
    %eq3A_139 = vector.broadcast %broadcast_in_dim3A_138 : vector<1024x1xf32> to vector<1024x1280xf32>
    %eq3A_140 = arith.cmpf oeq, %select_n3A_135, %eq3A_139 : vector<1024x1280xf32>
    %jit3A_141 = arith.constant 2147483647 : i32
    %broadcast_in_dim3A_142 = vector.broadcast %jit3A_141 : i32 to vector<1024x1280xi32>
    %select_n3A_143 = arith.select %eq3A_140, %get3A_4, %broadcast_in_dim3A_142 : vector<1024x1280xi1>, vector<1024x1280xi32>
    %reduce_min3A_144 = arith.constant dense<2147483647> : vector<1024xi32>
    %reduce_min3A_145 = vector.multi_reduction <minsi>, %select_n3A_143, %reduce_min3A_144 [1] : vector<1024x1280xi32> to vector<1024xi32>
    %broadcast_in_dim3A_146 = vector.shape_cast %reduce_min3A_145 : vector<1024xi32> to vector<1024x1xi32>
    %eq3A_147 = arith.constant 4 : i32
    %eq3A_148 = vector.broadcast %eq3A_147 : i32 to vector<1x16xi32>
    %eq3A_149 = arith.cmpi eq, %iota3A, %eq3A_148 : vector<1x16xi32>
    %broadcast_in_dim3A_150 = vector.shape_cast %eq3A_149 : vector<1x16xi1> to vector<1x16xi1>
    %broadcast_in_dim3A_151 = vector.broadcast %broadcast_in_dim3A_150 : vector<1x16xi1> to vector<1024x16xi1>
    %broadcast_in_dim3A_152 = vector.shape_cast %broadcast_in_dim3A_138 : vector<1024x1xf32> to vector<1024x1xf32>
    %broadcast_in_dim3A_153 = vector.broadcast %broadcast_in_dim3A_152 : vector<1024x1xf32> to vector<1024x16xf32>
    %select_n3A_154 = arith.select %broadcast_in_dim3A_151, %broadcast_in_dim3A_153, %select_n3A_122 : vector<1024x16xi1>, vector<1024x16xf32>
    %eq3A_155 = arith.constant 4 : i32
    %eq3A_156 = vector.broadcast %eq3A_155 : i32 to vector<1x16xi32>
    %eq3A_157 = arith.cmpi eq, %iota3A, %eq3A_156 : vector<1x16xi32>
    %broadcast_in_dim3A_158 = vector.shape_cast %eq3A_157 : vector<1x16xi1> to vector<1x16xi1>
    %broadcast_in_dim3A_159 = vector.broadcast %broadcast_in_dim3A_158 : vector<1x16xi1> to vector<1024x16xi1>
    %broadcast_in_dim3A_160 = vector.shape_cast %broadcast_in_dim3A_146 : vector<1024x1xi32> to vector<1024x1xi32>
    %broadcast_in_dim3A_161 = vector.broadcast %broadcast_in_dim3A_160 : vector<1024x1xi32> to vector<1024x16xi32>
    %select_n3A_162 = arith.select %broadcast_in_dim3A_159, %broadcast_in_dim3A_161, %select_n3A_130 : vector<1024x16xi1>, vector<1024x16xi32>
    %eq3A_163 = vector.broadcast %broadcast_in_dim3A_146 : vector<1024x1xi32> to vector<1024x1280xi32>
    %eq3A_164 = arith.cmpi eq, %get3A_4, %eq3A_163 : vector<1024x1280xi32>
    %jit3A_165 = arith.constant -3.000000e+00 : f32
    %broadcast_in_dim3A_166 = vector.broadcast %jit3A_165 : f32 to vector<1024x1280xf32>
    %select_n3A_167 = arith.select %eq3A_164, %broadcast_in_dim3A_166, %select_n3A_135 : vector<1024x1280xi1>, vector<1024x1280xf32>
    %reduce_max3A_168 = arith.constant dense<0xFF800000> : vector<1024xf32>
    %reduce_max3A_169 = vector.multi_reduction <maximumf>, %select_n3A_167, %reduce_max3A_168 [1] : vector<1024x1280xf32> to vector<1024xf32>
    %broadcast_in_dim3A_170 = vector.shape_cast %reduce_max3A_169 : vector<1024xf32> to vector<1024x1xf32>
    %eq3A_171 = vector.broadcast %broadcast_in_dim3A_170 : vector<1024x1xf32> to vector<1024x1280xf32>
    %eq3A_172 = arith.cmpf oeq, %select_n3A_167, %eq3A_171 : vector<1024x1280xf32>
    %jit3A_173 = arith.constant 2147483647 : i32
    %broadcast_in_dim3A_174 = vector.broadcast %jit3A_173 : i32 to vector<1024x1280xi32>
    %select_n3A_175 = arith.select %eq3A_172, %get3A_4, %broadcast_in_dim3A_174 : vector<1024x1280xi1>, vector<1024x1280xi32>
    %reduce_min3A_176 = arith.constant dense<2147483647> : vector<1024xi32>
    %reduce_min3A_177 = vector.multi_reduction <minsi>, %select_n3A_175, %reduce_min3A_176 [1] : vector<1024x1280xi32> to vector<1024xi32>
    %broadcast_in_dim3A_178 = vector.shape_cast %reduce_min3A_177 : vector<1024xi32> to vector<1024x1xi32>
    %eq3A_179 = arith.constant 5 : i32
    %eq3A_180 = vector.broadcast %eq3A_179 : i32 to vector<1x16xi32>
    %eq3A_181 = arith.cmpi eq, %iota3A, %eq3A_180 : vector<1x16xi32>
    %broadcast_in_dim3A_182 = vector.shape_cast %eq3A_181 : vector<1x16xi1> to vector<1x16xi1>
    %broadcast_in_dim3A_183 = vector.broadcast %broadcast_in_dim3A_182 : vector<1x16xi1> to vector<1024x16xi1>
    %broadcast_in_dim3A_184 = vector.shape_cast %broadcast_in_dim3A_170 : vector<1024x1xf32> to vector<1024x1xf32>
    %broadcast_in_dim3A_185 = vector.broadcast %broadcast_in_dim3A_184 : vector<1024x1xf32> to vector<1024x16xf32>
    %select_n3A_186 = arith.select %broadcast_in_dim3A_183, %broadcast_in_dim3A_185, %select_n3A_154 : vector<1024x16xi1>, vector<1024x16xf32>
    %eq3A_187 = arith.constant 5 : i32
    %eq3A_188 = vector.broadcast %eq3A_187 : i32 to vector<1x16xi32>
    %eq3A_189 = arith.cmpi eq, %iota3A, %eq3A_188 : vector<1x16xi32>
    %broadcast_in_dim3A_190 = vector.shape_cast %eq3A_189 : vector<1x16xi1> to vector<1x16xi1>
    %broadcast_in_dim3A_191 = vector.broadcast %broadcast_in_dim3A_190 : vector<1x16xi1> to vector<1024x16xi1>
    %broadcast_in_dim3A_192 = vector.shape_cast %broadcast_in_dim3A_178 : vector<1024x1xi32> to vector<1024x1xi32>
    %broadcast_in_dim3A_193 = vector.broadcast %broadcast_in_dim3A_192 : vector<1024x1xi32> to vector<1024x16xi32>
    %select_n3A_194 = arith.select %broadcast_in_dim3A_191, %broadcast_in_dim3A_193, %select_n3A_162 : vector<1024x16xi1>, vector<1024x16xi32>
    %eq3A_195 = vector.broadcast %broadcast_in_dim3A_178 : vector<1024x1xi32> to vector<1024x1280xi32>
    %eq3A_196 = arith.cmpi eq, %get3A_4, %eq3A_195 : vector<1024x1280xi32>
    %jit3A_197 = arith.constant -3.000000e+00 : f32
    %broadcast_in_dim3A_198 = vector.broadcast %jit3A_197 : f32 to vector<1024x1280xf32>
    %select_n3A_199 = arith.select %eq3A_196, %broadcast_in_dim3A_198, %select_n3A_167 : vector<1024x1280xi1>, vector<1024x1280xf32>
    %reduce_max3A_200 = arith.constant dense<0xFF800000> : vector<1024xf32>
    %reduce_max3A_201 = vector.multi_reduction <maximumf>, %select_n3A_199, %reduce_max3A_200 [1] : vector<1024x1280xf32> to vector<1024xf32>
    %broadcast_in_dim3A_202 = vector.shape_cast %reduce_max3A_201 : vector<1024xf32> to vector<1024x1xf32>
    %eq3A_203 = vector.broadcast %broadcast_in_dim3A_202 : vector<1024x1xf32> to vector<1024x1280xf32>
    %eq3A_204 = arith.cmpf oeq, %select_n3A_199, %eq3A_203 : vector<1024x1280xf32>
    %jit3A_205 = arith.constant 2147483647 : i32
    %broadcast_in_dim3A_206 = vector.broadcast %jit3A_205 : i32 to vector<1024x1280xi32>
    %select_n3A_207 = arith.select %eq3A_204, %get3A_4, %broadcast_in_dim3A_206 : vector<1024x1280xi1>, vector<1024x1280xi32>
    %reduce_min3A_208 = arith.constant dense<2147483647> : vector<1024xi32>
    %reduce_min3A_209 = vector.multi_reduction <minsi>, %select_n3A_207, %reduce_min3A_208 [1] : vector<1024x1280xi32> to vector<1024xi32>
    %broadcast_in_dim3A_210 = vector.shape_cast %reduce_min3A_209 : vector<1024xi32> to vector<1024x1xi32>
    %eq3A_211 = arith.constant 6 : i32
    %eq3A_212 = vector.broadcast %eq3A_211 : i32 to vector<1x16xi32>
    %eq3A_213 = arith.cmpi eq, %iota3A, %eq3A_212 : vector<1x16xi32>
    %broadcast_in_dim3A_214 = vector.shape_cast %eq3A_213 : vector<1x16xi1> to vector<1x16xi1>
    %broadcast_in_dim3A_215 = vector.broadcast %broadcast_in_dim3A_214 : vector<1x16xi1> to vector<1024x16xi1>
    %broadcast_in_dim3A_216 = vector.shape_cast %broadcast_in_dim3A_202 : vector<1024x1xf32> to vector<1024x1xf32>
    %broadcast_in_dim3A_217 = vector.broadcast %broadcast_in_dim3A_216 : vector<1024x1xf32> to vector<1024x16xf32>
    %select_n3A_218 = arith.select %broadcast_in_dim3A_215, %broadcast_in_dim3A_217, %select_n3A_186 : vector<1024x16xi1>, vector<1024x16xf32>
    %eq3A_219 = arith.constant 6 : i32
    %eq3A_220 = vector.broadcast %eq3A_219 : i32 to vector<1x16xi32>
    %eq3A_221 = arith.cmpi eq, %iota3A, %eq3A_220 : vector<1x16xi32>
    %broadcast_in_dim3A_222 = vector.shape_cast %eq3A_221 : vector<1x16xi1> to vector<1x16xi1>
    %broadcast_in_dim3A_223 = vector.broadcast %broadcast_in_dim3A_222 : vector<1x16xi1> to vector<1024x16xi1>
    %broadcast_in_dim3A_224 = vector.shape_cast %broadcast_in_dim3A_210 : vector<1024x1xi32> to vector<1024x1xi32>
    %broadcast_in_dim3A_225 = vector.broadcast %broadcast_in_dim3A_224 : vector<1024x1xi32> to vector<1024x16xi32>
    %select_n3A_226 = arith.select %broadcast_in_dim3A_223, %broadcast_in_dim3A_225, %select_n3A_194 : vector<1024x16xi1>, vector<1024x16xi32>
    %eq3A_227 = vector.broadcast %broadcast_in_dim3A_210 : vector<1024x1xi32> to vector<1024x1280xi32>
    %eq3A_228 = arith.cmpi eq, %get3A_4, %eq3A_227 : vector<1024x1280xi32>
    %jit3A_229 = arith.constant -3.000000e+00 : f32
    %broadcast_in_dim3A_230 = vector.broadcast %jit3A_229 : f32 to vector<1024x1280xf32>
    %select_n3A_231 = arith.select %eq3A_228, %broadcast_in_dim3A_230, %select_n3A_199 : vector<1024x1280xi1>, vector<1024x1280xf32>
    %reduce_max3A_232 = arith.constant dense<0xFF800000> : vector<1024xf32>
    %reduce_max3A_233 = vector.multi_reduction <maximumf>, %select_n3A_231, %reduce_max3A_232 [1] : vector<1024x1280xf32> to vector<1024xf32>
    %broadcast_in_dim3A_234 = vector.shape_cast %reduce_max3A_233 : vector<1024xf32> to vector<1024x1xf32>
    %eq3A_235 = vector.broadcast %broadcast_in_dim3A_234 : vector<1024x1xf32> to vector<1024x1280xf32>
    %eq3A_236 = arith.cmpf oeq, %select_n3A_231, %eq3A_235 : vector<1024x1280xf32>
    %jit3A_237 = arith.constant 2147483647 : i32
    %broadcast_in_dim3A_238 = vector.broadcast %jit3A_237 : i32 to vector<1024x1280xi32>
    %select_n3A_239 = arith.select %eq3A_236, %get3A_4, %broadcast_in_dim3A_238 : vector<1024x1280xi1>, vector<1024x1280xi32>
    %reduce_min3A_240 = arith.constant dense<2147483647> : vector<1024xi32>
    %reduce_min3A_241 = vector.multi_reduction <minsi>, %select_n3A_239, %reduce_min3A_240 [1] : vector<1024x1280xi32> to vector<1024xi32>
    %broadcast_in_dim3A_242 = vector.shape_cast %reduce_min3A_241 : vector<1024xi32> to vector<1024x1xi32>
    %eq3A_243 = arith.constant 7 : i32
    %eq3A_244 = vector.broadcast %eq3A_243 : i32 to vector<1x16xi32>
    %eq3A_245 = arith.cmpi eq, %iota3A, %eq3A_244 : vector<1x16xi32>
    %broadcast_in_dim3A_246 = vector.shape_cast %eq3A_245 : vector<1x16xi1> to vector<1x16xi1>
    %broadcast_in_dim3A_247 = vector.broadcast %broadcast_in_dim3A_246 : vector<1x16xi1> to vector<1024x16xi1>
    %broadcast_in_dim3A_248 = vector.shape_cast %broadcast_in_dim3A_234 : vector<1024x1xf32> to vector<1024x1xf32>
    %broadcast_in_dim3A_249 = vector.broadcast %broadcast_in_dim3A_248 : vector<1024x1xf32> to vector<1024x16xf32>
    %select_n3A_250 = arith.select %broadcast_in_dim3A_247, %broadcast_in_dim3A_249, %select_n3A_218 : vector<1024x16xi1>, vector<1024x16xf32>
    %eq3A_251 = arith.constant 7 : i32
    %eq3A_252 = vector.broadcast %eq3A_251 : i32 to vector<1x16xi32>
    %eq3A_253 = arith.cmpi eq, %iota3A, %eq3A_252 : vector<1x16xi32>
    %broadcast_in_dim3A_254 = vector.shape_cast %eq3A_253 : vector<1x16xi1> to vector<1x16xi1>
    %broadcast_in_dim3A_255 = vector.broadcast %broadcast_in_dim3A_254 : vector<1x16xi1> to vector<1024x16xi1>
    %broadcast_in_dim3A_256 = vector.shape_cast %broadcast_in_dim3A_242 : vector<1024x1xi32> to vector<1024x1xi32>
    %broadcast_in_dim3A_257 = vector.broadcast %broadcast_in_dim3A_256 : vector<1024x1xi32> to vector<1024x16xi32>
    %select_n3A_258 = arith.select %broadcast_in_dim3A_255, %broadcast_in_dim3A_257, %select_n3A_226 : vector<1024x16xi1>, vector<1024x16xi32>
    %eq3A_259 = vector.broadcast %broadcast_in_dim3A_242 : vector<1024x1xi32> to vector<1024x1280xi32>
    %eq3A_260 = arith.cmpi eq, %get3A_4, %eq3A_259 : vector<1024x1280xi32>
    %jit3A_261 = arith.constant -3.000000e+00 : f32
    %broadcast_in_dim3A_262 = vector.broadcast %jit3A_261 : f32 to vector<1024x1280xf32>
    %select_n3A_263 = arith.select %eq3A_260, %broadcast_in_dim3A_262, %select_n3A_231 : vector<1024x1280xi1>, vector<1024x1280xf32>
    %reduce_max3A_264 = arith.constant dense<0xFF800000> : vector<1024xf32>
    %reduce_max3A_265 = vector.multi_reduction <maximumf>, %select_n3A_263, %reduce_max3A_264 [1] : vector<1024x1280xf32> to vector<1024xf32>
    %broadcast_in_dim3A_266 = vector.shape_cast %reduce_max3A_265 : vector<1024xf32> to vector<1024x1xf32>
    %eq3A_267 = vector.broadcast %broadcast_in_dim3A_266 : vector<1024x1xf32> to vector<1024x1280xf32>
    %eq3A_268 = arith.cmpf oeq, %select_n3A_263, %eq3A_267 : vector<1024x1280xf32>
    %jit3A_269 = arith.constant 2147483647 : i32
    %broadcast_in_dim3A_270 = vector.broadcast %jit3A_269 : i32 to vector<1024x1280xi32>
    %select_n3A_271 = arith.select %eq3A_268, %get3A_4, %broadcast_in_dim3A_270 : vector<1024x1280xi1>, vector<1024x1280xi32>
    %reduce_min3A_272 = arith.constant dense<2147483647> : vector<1024xi32>
    %reduce_min3A_273 = vector.multi_reduction <minsi>, %select_n3A_271, %reduce_min3A_272 [1] : vector<1024x1280xi32> to vector<1024xi32>
    %broadcast_in_dim3A_274 = vector.shape_cast %reduce_min3A_273 : vector<1024xi32> to vector<1024x1xi32>
    %eq3A_275 = arith.constant 8 : i32
    %eq3A_276 = vector.broadcast %eq3A_275 : i32 to vector<1x16xi32>
    %eq3A_277 = arith.cmpi eq, %iota3A, %eq3A_276 : vector<1x16xi32>
    %broadcast_in_dim3A_278 = vector.shape_cast %eq3A_277 : vector<1x16xi1> to vector<1x16xi1>
    %broadcast_in_dim3A_279 = vector.broadcast %broadcast_in_dim3A_278 : vector<1x16xi1> to vector<1024x16xi1>
    %broadcast_in_dim3A_280 = vector.shape_cast %broadcast_in_dim3A_266 : vector<1024x1xf32> to vector<1024x1xf32>
    %broadcast_in_dim3A_281 = vector.broadcast %broadcast_in_dim3A_280 : vector<1024x1xf32> to vector<1024x16xf32>
    %select_n3A_282 = arith.select %broadcast_in_dim3A_279, %broadcast_in_dim3A_281, %select_n3A_250 : vector<1024x16xi1>, vector<1024x16xf32>
    %eq3A_283 = arith.constant 8 : i32
    %eq3A_284 = vector.broadcast %eq3A_283 : i32 to vector<1x16xi32>
    %eq3A_285 = arith.cmpi eq, %iota3A, %eq3A_284 : vector<1x16xi32>
    %broadcast_in_dim3A_286 = vector.shape_cast %eq3A_285 : vector<1x16xi1> to vector<1x16xi1>
    %broadcast_in_dim3A_287 = vector.broadcast %broadcast_in_dim3A_286 : vector<1x16xi1> to vector<1024x16xi1>
    %broadcast_in_dim3A_288 = vector.shape_cast %broadcast_in_dim3A_274 : vector<1024x1xi32> to vector<1024x1xi32>
    %broadcast_in_dim3A_289 = vector.broadcast %broadcast_in_dim3A_288 : vector<1024x1xi32> to vector<1024x16xi32>
    %select_n3A_290 = arith.select %broadcast_in_dim3A_287, %broadcast_in_dim3A_289, %select_n3A_258 : vector<1024x16xi1>, vector<1024x16xi32>
    %eq3A_291 = vector.broadcast %broadcast_in_dim3A_274 : vector<1024x1xi32> to vector<1024x1280xi32>
    %eq3A_292 = arith.cmpi eq, %get3A_4, %eq3A_291 : vector<1024x1280xi32>
    %jit3A_293 = arith.constant -3.000000e+00 : f32
    %broadcast_in_dim3A_294 = vector.broadcast %jit3A_293 : f32 to vector<1024x1280xf32>
    %select_n3A_295 = arith.select %eq3A_292, %broadcast_in_dim3A_294, %select_n3A_263 : vector<1024x1280xi1>, vector<1024x1280xf32>
    %reduce_max3A_296 = arith.constant dense<0xFF800000> : vector<1024xf32>
    %reduce_max3A_297 = vector.multi_reduction <maximumf>, %select_n3A_295, %reduce_max3A_296 [1] : vector<1024x1280xf32> to vector<1024xf32>
    %broadcast_in_dim3A_298 = vector.shape_cast %reduce_max3A_297 : vector<1024xf32> to vector<1024x1xf32>
    %eq3A_299 = vector.broadcast %broadcast_in_dim3A_298 : vector<1024x1xf32> to vector<1024x1280xf32>
    %eq3A_300 = arith.cmpf oeq, %select_n3A_295, %eq3A_299 : vector<1024x1280xf32>
    %jit3A_301 = arith.constant 2147483647 : i32
    %broadcast_in_dim3A_302 = vector.broadcast %jit3A_301 : i32 to vector<1024x1280xi32>
    %select_n3A_303 = arith.select %eq3A_300, %get3A_4, %broadcast_in_dim3A_302 : vector<1024x1280xi1>, vector<1024x1280xi32>
    %reduce_min3A_304 = arith.constant dense<2147483647> : vector<1024xi32>
    %reduce_min3A_305 = vector.multi_reduction <minsi>, %select_n3A_303, %reduce_min3A_304 [1] : vector<1024x1280xi32> to vector<1024xi32>
    %broadcast_in_dim3A_306 = vector.shape_cast %reduce_min3A_305 : vector<1024xi32> to vector<1024x1xi32>
    %eq3A_307 = arith.constant 9 : i32
    %eq3A_308 = vector.broadcast %eq3A_307 : i32 to vector<1x16xi32>
    %eq3A_309 = arith.cmpi eq, %iota3A, %eq3A_308 : vector<1x16xi32>
    %broadcast_in_dim3A_310 = vector.shape_cast %eq3A_309 : vector<1x16xi1> to vector<1x16xi1>
    %broadcast_in_dim3A_311 = vector.broadcast %broadcast_in_dim3A_310 : vector<1x16xi1> to vector<1024x16xi1>
    %broadcast_in_dim3A_312 = vector.shape_cast %broadcast_in_dim3A_298 : vector<1024x1xf32> to vector<1024x1xf32>
    %broadcast_in_dim3A_313 = vector.broadcast %broadcast_in_dim3A_312 : vector<1024x1xf32> to vector<1024x16xf32>
    %select_n3A_314 = arith.select %broadcast_in_dim3A_311, %broadcast_in_dim3A_313, %select_n3A_282 : vector<1024x16xi1>, vector<1024x16xf32>
    %eq3A_315 = arith.constant 9 : i32
    %eq3A_316 = vector.broadcast %eq3A_315 : i32 to vector<1x16xi32>
    %eq3A_317 = arith.cmpi eq, %iota3A, %eq3A_316 : vector<1x16xi32>
    %broadcast_in_dim3A_318 = vector.shape_cast %eq3A_317 : vector<1x16xi1> to vector<1x16xi1>
    %broadcast_in_dim3A_319 = vector.broadcast %broadcast_in_dim3A_318 : vector<1x16xi1> to vector<1024x16xi1>
    %broadcast_in_dim3A_320 = vector.shape_cast %broadcast_in_dim3A_306 : vector<1024x1xi32> to vector<1024x1xi32>
    %broadcast_in_dim3A_321 = vector.broadcast %broadcast_in_dim3A_320 : vector<1024x1xi32> to vector<1024x16xi32>
    %select_n3A_322 = arith.select %broadcast_in_dim3A_319, %broadcast_in_dim3A_321, %select_n3A_290 : vector<1024x16xi1>, vector<1024x16xi32>
    %swap3A = arith.constant 0 : index
    %swap3A_323 = arith.constant 0 : index
    %swap3A_324 = vector.load %arg2[%swap3A, %swap3A_323] : memref<1024x16xf32, #tpu.memory_space<vmem>>, vector<1024x16xf32>
    tpu.vector_store %arg2[%swap3A, %swap3A_323], %select_n3A_314 {strides = array<i32>} : memref<1024x16xf32, #tpu.memory_space<vmem>>, vector<1024x16xf32>,
    %swap3A_325 = arith.constant 0 : index
    %swap3A_326 = arith.constant 0 : index
    %swap3A_327 = vector.load %arg3[%swap3A_325, %swap3A_326] : memref<1024x16xi32, #tpu.memory_space<vmem>>, vector<1024x16xi32>
    tpu.vector_store %arg3[%swap3A_325, %swap3A_326], %select_n3A_322 {strides = array<i32>} : memref<1024x16xi32, #tpu.memory_space<vmem>>, vector<1024x16xi32>,
    return
  }
}

</mosaic_0001>

<sc_bundles>
// kernel: kernel.6.cloned.1.call-start
scs
__scs_entry_jumppad:
0x0: {  	(pc) =	sbr.rel $0x88, $3  }
0x1: {  	(tag) =	ssettag $0x0;
	lr =	simm.s32 $0x1  }
0x2: {  	[smem:$0x3F9F] =	sst lr;
	_ =	strace $0xD0000000  }
0x3: {  	_ = 	snop  }
0x4: {  	_ = 	snop  }
0x5: {  	_ = 	snop  }
0x6: {  	_ = 	snop  }
0x7: {  	_ = 	snop  }
__scs_overlays_trampoline_lowered:
0x8: {  	[smem:$0x3FAE] =	sst s0  }
0x9: {  	[smem:$0x3FAF] =	sst s1  }
0xa: {  	[smem:$0x3FB0] =	sst s2  }
0xb: {  	[smem:$0x3FB1] =	sst s3  }
0xc: {  	[smem:$0x3FB2] =	sst s4  }
0xd: {  	[smem:$0x3FB3] =	sst s5  }
0xe: {  	[smem:$0x3FB4] =	sst s6  }
0xf: {  	[smem:$0x3FB5] =	sst s7  }
0x10: {  	[smem:$0x3FB6] =	sst s8  }
0x11: {  	[smem:$0x3FB7] =	sst s9;
	s0 =	simm.s32 @!p0 $0x0  }
0x12: {  	s1 =	sld [smem:$0x3F9D];
	s0 =	simm.s32 @p0 $0x1  }
0x13: {  	[smem:$0x3FB8] =	sst s0;
	s0 =	simm.s32 @!p1 $0x0  }
0x14: {  	s2 =	sld [smem:$0x3F9C];
	s0 =	simm.s32 @p1 $0x1  }
0x15: {  	[smem:$0x3FB9] =	sst s0;
	s0 =	simm.s32 @!p2 $0x0  }
0x16: {  	s3 =	sld [smem:$0x3FDB];
	s0 =	simm.s32 @p2 $0x1  }
0x17: {  	s4 =	simm.s32 $0x1BF5;
	[smem:$0x3FBB] =	sst s0  }
0x18: {  	s0 =	sld [smem:$0x3F9E];
	_ =	swait.ge [sflag:s4], $0x0  }
0x19: {  	s7 =	sld [smem:$0x3F9F]  }
0x1a: {  	s8 =	sadd.s32 $0xFFFFE003, lr  }
0x1b: {  	s9 =	sadd.s32 $0xFFFFFEF7, lr;
	s5 =	simm.s32 $0xFFFFFFFF;
	p2 =	slt.u32 s8, $0xFFFFF086  }
0x1c: {  	p1 =	slt.u32 s9, $0xF7A;
	s5 =	simm.s32 @!p2 $0x0  }
0x1d: {  	s5 =	simm.s32 @p1 $0x1;
	p0 =	seq.s32 s7, s2  }
0x1e: {  	s7 =	smul.u32 @!p0 $0xF7A, s2;
	p2 =	seq.s32 @!p0 s5, $0x0  }
0x1f: {  	s9 =	smul.u32 $0xF7A, s1;
	s8 =	simm.s32 @!p0 $0x1BF5;
	p2 =	por !p2, p0  }
0x20: {  	[sflag:s8] =	ssyncset.s32 @!p0 $0xFFFFF086;
	s6 =	sadd.s32 @!p0 s3, s7;
	s7 =	simm.s32 @!p0 $0x108  }
0x21: {  	s3 =	sadd.s32 s3, s9;
	s6 =	sadd.s32 @!p0 $0x88, s6;
	s7 =	simm.s32 @p2 $0x1082  }
0x22: {  	[simem:s7], [sflag:s8] =	dma.local @!p0 [hbm:s6], $0xF7A  }
0x23: {  	s9 =	sor.u32 $0xD0000000, s2;
	s6 =	simm.s32 $0x108;
	_ =	swait.ge @!p0 [sflag:s8], $0x0  }
0x24: {  	s3 =	sadd.s32 $0x88, s3;
	s6 =	simm.s32 @!p1 $0x1082;
	[sflag:s4] =	ssyncset.s32 $0xFFFFF086  }
0x25: {  	[simem:s6], [sflag:s4] =	dma.local [hbm:s3], $0xF7A  }
0x26: {  	[smem:$0x3F9F] =	sst s1;
	(tag) =	ssettag s2;
	_ =	strace s9  }
0x27: {  	s1 =	sld [smem:$0x3FAF]  }
0x28: {  	s2 =	sld [smem:$0x3FB0]  }
0x29: {  	s4 =	sld [smem:$0x3FB2]  }
0x2a: {  	p0 =	seq.s32 s5, $0x0;
	s5 =	sld [smem:$0x3FB3]  }
0x2b: {  	s6 =	sld [smem:$0x3FB4]  }
0x2c: {  	s7 =	sld [smem:$0x3FB5]  }
0x2d: {  	s3 =	simm.s32 $0x108;
	s8 =	sld [smem:$0x3FB6]  }
0x2e: {  	s3 =	simm.s32 @!p0 $0x1082;
	s9 =	sld [smem:$0x3FB7]  }
0x2f: {  	lr =	sadd.s32 s0, s3;
	s0 =	sld [smem:$0x3FAE]  }
0x30: {  	s3 =	sld [smem:$0x3FB1]  }
0x31: {  	[smem:$0x3FBA] =	sst s10  }
0x32: {  	s10 =	sld [smem:$0x3FB8];
	_ =	sdelay $0x3  }
0x33: {  	p0 =	seq.s32 s10, $0x1;
	s10 =	sld [smem:$0x3FBA];
	_ =	sdelay $0x3  }
0x34: {  	[smem:$0x3FBA] =	sst s10  }
0x35: {  	s10 =	sld [smem:$0x3FB9];
	_ =	sdelay $0x3  }
0x36: {  	p1 =	seq.s32 s10, $0x1;
	s10 =	sld [smem:$0x3FBA];
	_ =	sdelay $0x3  }
0x37: {  	[smem:$0x3FBA] =	sst s10  }
0x38: {  	s10 =	sld [smem:$0x3FBB]  }
0x39: {  	_ = 	snop;
	(pc) =	sbr.ind lr, $3  }
0x3a: {  	_ = 	snop  }
0x3b: {  	_ = 	snop  }
0x3c: {  	p2 =	seq.s32 s10, $0x1;
	s10 =	sld [smem:$0x3FBA]  }
0x3d: {  	_ =	shalt  }
0x3e: {  	_ =	shalt  }
0x3f: {  	_ =	shalt  }
0x40: {  	_ =	shalt  }
0x41: {  	_ =	shalt  }
0x42: {  	_ =	shalt  }
0x43: {  	_ =	shalt  }
0x44: {  	_ =	shalt  }
0x45: {  	_ =	shalt  }
0x46: {  	_ =	shalt  }
0x47: {  	_ =	shalt  }
0x48: {  	_ =	shalt  }
0x49: {  	_ =	shalt  }
0x4a: {  	_ =	shalt  }
0x4b: {  	_ =	shalt  }
0x4c: {  	_ =	shalt  }
0x4d: {  	_ =	shalt  }
0x4e: {  	_ =	shalt  }
0x4f: {  	_ =	shalt  }
0x50: {  	_ =	shalt  }
0x51: {  	_ =	shalt  }
0x52: {  	_ =	shalt  }
0x53: {  	_ =	shalt  }
0x54: {  	_ =	shalt  }
0x55: {  	_ =	shalt  }
0x56: {  	_ =	shalt  }
0x57: {  	_ =	shalt  }
0x58: {  	_ =	shalt  }
0x59: {  	_ =	shalt  }
0x5a: {  	_ =	shalt  }
0x5b: {  	_ =	shalt  }
0x5c: {  	_ =	shalt  }
0x5d: {  	_ =	shalt  }
0x5e: {  	_ =	shalt  }
0x5f: {  	_ =	shalt  }
0x60: {  	_ =	shalt  }
0x61: {  	_ =	shalt  }
0x62: {  	_ =	shalt  }
0x63: {  	_ =	shalt  }
0x64: {  	_ =	shalt  }
0x65: {  	_ =	shalt  }
0x66: {  	_ =	shalt  }
0x67: {  	_ =	shalt  }
0x68: {  	_ =	shalt  }
0x69: {  	_ =	shalt  }
0x6a: {  	_ =	shalt  }
0x6b: {  	_ =	shalt  }
0x6c: {  	_ =	shalt  }
0x6d: {  	_ =	shalt  }
0x6e: {  	_ =	shalt  }
0x6f: {  	_ =	shalt  }
0x70: {  	_ =	shalt  }
0x71: {  	_ =	shalt  }
0x72: {  	_ =	shalt  }
0x73: {  	_ =	shalt  }
0x74: {  	_ =	shalt  }
0x75: {  	_ =	shalt  }
0x76: {  	_ =	shalt  }
0x77: {  	_ =	shalt  }
0x78: {  	_ =	shalt  }
0x79: {  	_ =	shalt  }
0x7a: {  	_ =	shalt  }
0x7b: {  	_ =	shalt  }
0x7c: {  	_ =	shalt  }
0x7d: {  	_ =	shalt  }
0x7e: {  	_ =	shalt  }
0x7f: {  	_ =	shalt  }
0x80: {  	_ =	shalt  }
0x81: {  	_ =	shalt  }
0x82: {  	_ =	shalt  }
0x83: {  	_ =	shalt  }
0x84: {  	_ =	shalt  }
0x85: {  	_ =	shalt  }
0x86: {  	_ =	shalt  }
0x87: {  	_ =	shalt  }
.Lfunc_end0:
.L_simem_size_0:
called_computation_lowered:
.L_overlay_start_0:
0x88: {  	s2 =	sld [smem:$0x3FD9]  }
0x89: {  	s3 =	sld [smem:$0x3FFE];
	_ =	sdelay $0x1  }
0x8a: {  	s1 =	srdreg.scid  }
0x8b: {  	s0 =	sand.u32 $0x1, s1  }
0x8c: {  	s14 =	sshll.u32 s0, $0xA;
	s2 =	sadd.s32 s3, s2  }
0x8d: {  	s2 =	sadd.s32 s2, s14  }
0x8e: {  	[smem:$0x3FC6] =	sst s2  }
0x8f: {  	_ = 	snop  }
0x90: {  	s2 =	sld [smem:$0x3FD0];
	_ =	sdelay $0x2  }
0x91: {  	s15 =	simm.s32 $0xA;
	s4 =	simm.s32 $0x10  }
0x92: {  	[smem:s4], [sflag:s15] =	dma.local [hbm:s2], $0x1  }
0x93: {  	_ =	swait.eq [sflag:s15], $0x1  }
0x94: {  	[sflag:s15] =	ssyncset.done $0x0  }
0x95: {  	s16 =	sld [smem:$0x11];
	[sflag:s15] =	ssyncadd.s32 $0xFFFFFFFF  }
0x96: {  	s17 =	sld [smem:$0x12];
	(tm) =	ssettm $0x1  }
0x97: {  	s18 =	sld [smem:$0x3FFB];
	_ =	sdelay $0x3  }
0x98: {  	_ =	strace s18  }
0x99: {  	s4 =	sld [smem:$0x3FFC];
	_ =	sdelay $0x3  }
0x9a: {  	_ =	strace s4  }
0x9b: {  	s4 =	sld [smem:$0x3FFD];
	_ =	sdelay $0x3  }
0x9c: {  	_ =	strace s4  }
0x9d: {  	_ =	strace $0x8FFFFFFF  }
0x9e: {  	s19 =	sld [smem:$0x3FDB];
	_ =	sdelay $0x1  }
0x9f: {  	s5 =	simm.s32 $_scs_section_size  }
0xa0: {  	s6 =	simm.s32 $_size__tile_overlayer_lowered;
	s7 =	simm.s32 $_tile_overlayer_lowered  }
0xa1: {  	s22 =	simm.s32 $0x1BFF;
	s21 =	sshll.u32 s7, $0x1;
	s4 =	sadd.s32 s5, s19  }
0xa2: {  	s8 =	simm.s32 $0x0;
	s20 =	sshll.u32 s6, $0x1;
	s6 =	sadd.s32 s21, s4  }
0xa3: {  	[timem:s8], [sflag:s22] =	dma.local [hbm:s6], s20  }
0xa4: {  	_ =	swait.ge [sflag:s22], s20  }
0xa5: {  	s5 =	ssub.s32 $0x0, s20;
	[sflag:s22] =	ssyncset.done $0x0  }
0xa6: {  	[sflag:s22] =	ssyncadd.s32 s5;
	_ =	sdelay $0x1  }
0xa7: {  	s23 =	simm.s32 $0x1B8B  }
0xa8: {  	_ =	swait.ge [sflag:s23], $0x1  }
0xa9: {  	[sflag:s23] =	ssyncset.done $0x0  }
0xaa: {  	s25 =	simm.s32 $0x1B8E;
	s24 =	sld [smem:$0x3FFE];
	[sflag:s23] =	ssyncadd.s32 $0xFFFFFFFF  }
0xab: {  	s26 =	simm.s32 $execute0_lowered;
	[smem:$0x3FD2] =	sst s25  }
0xac: {  	s6 =	sshll.u32 s26, $0x1;
	_ =	strace $0x80000046;
	[dreg:$0x1] =	wrdreg $0xFFFFFFFF  }
0xad: {  	s28 =	simm.s32 $_size_execute0_lowered;
	s4 =	sadd.s32 s4, s6;
	[dreg:$0x0] =	wrdreg $0x0  }
0xae: {  	s6 =	sshll.u32 s28, $0x1;
	[dreg:$0x2] =	wrdreg s4  }
0xaf: {  	[dreg:$0x3] =	wrdreg s6  }
0xb0: {  	[dreg:$0x4] =	wrdreg $0xC0  }
0xb1: {  	_ =	task [dreg:s8], $0x5FFFF  }
0xb2: {  	[dreg:$0x1] =	wrdreg $0xFFFFFFFF  }
0xb3: {  	[dreg:$0x0] =	wrdreg $0x60  }
0xb4: {  	[dreg:$0x2] =	wrdreg s24  }
0xb5: {  	[dreg:$0x3] =	wrdreg s16  }
0xb6: {  	[dreg:$0x4] =	wrdreg s17  }
0xb7: {  	[dreg:$0x5] =	wrdreg $0x9  }
0xb8: {  	_ =	task.clear_ibuf [dreg:s8], $0x6FFFF;
	_ =	strace $0x90000046  }
0xb9: {  	s29 =	simm.s32 $0x9;
	_ =	strace $0x80000048  }
0xba: {  	_ =	swait.ge [sflag:s29], $0x1  }
0xbb: {  	[sflag:s29] =	ssyncadd.s32 $0xFFFFFFFF  }
0xbc: {  	_ =	strace $0x90000048  }
0xbd: {  	_ =	sfence  }
0xbe: {  	s30 =	sld [smem:$0x0];
	_ =	sdelay $0x2  }
0xbf: {  	s31 =	sshll.u32 s1, $0xD;
	s1 =	sshrl.u32 s1, $0x2  }
0xc0: {  	s3 =	sand.u32 $0x4000, s31;
	s1 =	sadd.s32 s1, s30  }
0xc1: {  	s0 =	sor.u32 s3, s0;
	s1 =	sshll.u32 s1, $0x11  }
0xc2: {  	s0 =	sor.u32 s1, s0  }
0xc3: {  	s0 =	sadd.s32 $0x8F2B, s0  }
0xc4: {  	[sflag:s0] =	ssyncadd.remote.s32 $0x1  }
0xc5: {  	_ =	sfence.sel $0xFFFF  }
0xc6: {  	[dreg:$0x0] =	wrdreg $0xFFFFFFFF;
	(pc) =	sbr.abs _section_cstart, $3  }
0xc7: {  	[dreg:$0x1] =	wrdreg $0xFFFFFFFF  }
0xc8: {  	_ =	task.clear_ibuf [dreg:s8], $0x2FFFF;
	_ =	strace $0x9FFFFFFF  }
0xc9: {  	(tm) =	ssettm $0x7FFFFFFF  }
tec
execute0_lowered:
.L_overlay_start_1:
0x0: {  	(tag) =	ssettag $0x1  }
0x1: {  	s5 =	rddreg [dreg:$0x0]  }
0x2: {  	s1 =	srdreg.scid;
	s0 =	stileid.u32  }
0x3: {  	s11 =	rddreg [dreg:$0x1];
	s14 =	sand.u32 $0x1, s1;
	s3 =	sshll.u32 s0, $0x1  }
0x4: {  	s16 =	rddreg [dreg:$0x2];
	s2 =	simm.s32 $0x0;
	s12 =	sor.u32 s14, s3  }
0x5: {  	s4 =	simm.s32 $0x2;
	[smem:$0x7FF] =	sst s2;
	s3 =	sshll.u32 s12, $0x4  }
0x6: {  	s1 =	rddreg [dreg:$0x3];
	_ =	strace $0x80000047;
	s3 =	sadd.s32 s11, s3  }
0x7: {  	[tilespmem:s2], [sflag:$0x2] =	stream.linear.gather [hbm4b:s3+s2], $0x80, $0x38;
	[tilespmem:$0x4080] =	vst v63  }
0x8: {  	_ =	swait.ge [sflag:s4], $0x80  }
0x9: {  	s6 =	simm.s32 $0x80;
	[sflag:s4] =	ssyncset.done $0x0  }
0xa: {  	s7 =	simm.s32 $0x1;
	s5 =	sadd.s32 $0xDC7400, s5;
	[sflag:s4] =	ssyncadd.s32 $0xFFFFFF80  }
0xb: {  	[tilespmem:s6], [sflag:$0x1] =	stream.indirect.gather [hbm4b:s5+s6], $0x80, s2, s6, $0xb8;
	[tilespmem:$0x4080] =	vst v63  }
0xc: {  	_ =	swait.ge [sflag:s7], $0x4000  }
0xd: {  	s8 =	sshll.u32 s12, $0xB;
	[sflag:s7] =	ssyncset.done $0x0  }
0xe: {  	s8 =	sadd.s32 s16, s8;
	[sflag:s7] =	ssyncadd.s32 $0xFFFFC000  }
0xf: {  	[hbm4b:s8+s2] =	stream.linear.scatter [tilespmem:s6], [sflag:$0x2], $0x4000, $0x38;
	[tilespmem:$0x4080] =	vst v63  }
0x10: {  	s10 =	sor.u32 $0x20, s12;
	_ =	swait.ge [sflag:s4], $0x4000  }
0x11: {  	s9 =	sshll.u32 s10, $0x4;
	[sflag:s4] =	ssyncset.done $0x0  }
0x12: {  	s9 =	sadd.s32 s11, s9;
	[sflag:s4] =	ssyncadd.s32 $0xFFFFC000  }
0x13: {  	[tilespmem:s2], [sflag:$0x2] =	stream.linear.gather [hbm4b:s9+s2], $0x80, $0x38;
	[tilespmem:$0x4080] =	vst v63  }
0x14: {  	_ =	swait.ge [sflag:s4], $0x80  }
0x15: {  	[sflag:s4] =	ssyncset.done $0x0  }
0x16: {  	[sflag:s4] =	ssyncadd.s32 $0xFFFFFF80  }
0x17: {  	[tilespmem:s6], [sflag:$0x1] =	stream.indirect.gather [hbm4b:s5+s6], $0x80, s2, s6, $0xb8;
	[tilespmem:$0x4080] =	vst v63  }
0x18: {  	p0 =	sgt.u32 s0, $0x7;
	_ =	swait.ge [sflag:s7], $0x4000  }
0x19: {  	s13 =	simm.s32 @!p0 $0x0;
	s10 =	sshll.u32 s10, $0xB;
	[sflag:s7] =	ssyncset.done $0x0  }
0x1a: {  	s18 =	ssub.s32 $0x2, s14;
	s10 =	sadd.s32 s16, s10;
	[sflag:s7] =	ssyncadd.s32 $0xFFFFC000  }
0x1b: {  	[hbm4b:s10+s2] =	stream.linear.scatter [tilespmem:s6], [sflag:$0x2], $0x4000, $0x38;
	[tilespmem:$0x4080] =	vst v63  }
0x1c: {  	s14 =	simm.s32 @!p0 $0x80;
	s17 =	sor.u32 $0x40, s12;
	_ =	swait.ge [sflag:s4], $0x4000  }
0x1d: {  	s19 =	sshrl.u32 s18, $0x1;
	s12 =	sshll.u32 s17, $0x4;
	[sflag:s4] =	ssyncset.done $0x0  }
0x1e: {  	s11 =	sadd.s32 s11, s12;
	s12 =	simm.s32 @!p0 $0x2;
	[sflag:s4] =	ssyncadd.s32 $0xFFFFC000  }
0x1f: {  	[tilespmem:s13], [sflag:$0x2] =	stream.linear.gather @!p0 [hbm4b:s11+s13], $0x80, $0x38;
	[tilespmem:$0x4080] =	vst v63  }
0x20: {  	s15 =	simm.s32 @!p0 $0x1;
	s18 =	ssub.s32 s18, s19;
	_ =	swait.ge @!p0 [sflag:s12], $0x80  }
0x21: {  	s17 =	sshll.u32 s17, $0xB;
	s18 =	smax.u32 s18, $0x1;
	[sflag:s12] =	ssyncset.done @!p0 $0x0  }
0x22: {  	s16 =	sadd.s32 s16, s17;
	s17 =	sadd.s32 $0xFFFFFFFF, s18;
	[sflag:s12] =	ssyncadd.s32 @!p0 $0xFFFFFF80  }
0x23: {  	[tilespmem:s14], [sflag:$0x1] =	stream.indirect.gather @!p0 [hbm4b:s5+s14], $0x80, s13, s14, $0xb8;
	[tilespmem:$0x4080] =	vst v63  }
0x24: {  	p1 =	sne.s32 s17, $0x0;
	_ =	swait.ge @!p0 [sflag:s15], $0x4000  }
.Ltmp0:
0x25: {  	[sflag:s15] =	ssyncset.done @!p0 $0x0;
	(pc) =	sbr.rel @!p1 .LBB2_2-.Ltmp0, $4  }
0x26: {  	[sflag:s15] =	ssyncadd.s32 @!p0 $0xFFFFC000  }
0x27: {  	[hbm4b:s16+s13] =	stream.linear.scatter @!p0 [tilespmem:s14], [sflag:$0x2], $0x4000, $0x38;
	[tilespmem:$0x4080] =	vst v63  }
0x28: {  	_ =	swait.ge @!p0 [sflag:s12], $0x4000  }
0x29: {  	[sflag:s12] =	ssyncset.done @!p0 $0x0  }
.LBB2_1:
0x2a: {  	s17 =	sadd.s32 $0xFFFFFFFF, s17;
	[sflag:s12] =	ssyncadd.s32 @!p0 $0xFFFFC000  }
0x2b: {  	[tilespmem:s2], [sflag:$0x2] =	stream.linear.gather [hbm4b:s3+s2], $0x80, $0x38;
	[tilespmem:$0x4080] =	vst v63  }
0x2c: {  	p1 =	sne.s32 s17, $0x0;
	_ =	swait.ge [sflag:s4], $0x80  }
0x2d: {  	[sflag:s4] =	ssyncset.done $0x0  }
0x2e: {  	[sflag:s4] =	ssyncadd.s32 $0xFFFFFF80  }
0x2f: {  	[tilespmem:s6], [sflag:$0x1] =	stream.indirect.gather [hbm4b:s5+s6], $0x80, s2, s6, $0xb8;
	[tilespmem:$0x4080] =	vst v63  }
0x30: {  	_ =	swait.ge [sflag:s7], $0x4000  }
0x31: {  	[sflag:s7] =	ssyncset.done $0x0  }
0x32: {  	[sflag:s7] =	ssyncadd.s32 $0xFFFFC000  }
0x33: {  	[hbm4b:s8+s2] =	stream.linear.scatter [tilespmem:s6], [sflag:$0x2], $0x4000, $0x38;
	[tilespmem:$0x4080] =	vst v63  }
0x34: {  	_ =	swait.ge [sflag:s4], $0x4000  }
0x35: {  	[sflag:s4] =	ssyncset.done $0x0  }
0x36: {  	[sflag:s4] =	ssyncadd.s32 $0xFFFFC000  }
0x37: {  	[tilespmem:s2], [sflag:$0x2] =	stream.linear.gather [hbm4b:s9+s2], $0x80, $0x38;
	[tilespmem:$0x4080] =	vst v63  }
0x38: {  	_ =	swait.ge [sflag:s4], $0x80  }
0x39: {  	[sflag:s4] =	ssyncset.done $0x0  }
0x3a: {  	[sflag:s4] =	ssyncadd.s32 $0xFFFFFF80  }
0x3b: {  	[tilespmem:s6], [sflag:$0x1] =	stream.indirect.gather [hbm4b:s5+s6], $0x80, s2, s6, $0xb8;
	[tilespmem:$0x4080] =	vst v63  }
0x3c: {  	_ =	swait.ge [sflag:s7], $0x4000  }
0x3d: {  	[sflag:s7] =	ssyncset.done $0x0  }
0x3e: {  	[sflag:s7] =	ssyncadd.s32 $0xFFFFC000  }
0x3f: {  	[hbm4b:s10+s2] =	stream.linear.scatter [tilespmem:s6], [sflag:$0x2], $0x4000, $0x38;
	[tilespmem:$0x4080] =	vst v63  }
0x40: {  	_ =	swait.ge [sflag:s4], $0x4000  }
0x41: {  	[sflag:s4] =	ssyncset.done $0x0  }
0x42: {  	[sflag:s4] =	ssyncadd.s32 $0xFFFFC000  }
0x43: {  	[tilespmem:s13], [sflag:$0x2] =	stream.linear.gather @!p0 [hbm4b:s11+s13], $0x80, $0x38;
	[tilespmem:$0x4080] =	vst v63  }
0x44: {  	_ =	swait.ge @!p0 [sflag:s12], $0x80  }
0x45: {  	[sflag:s12] =	ssyncset.done @!p0 $0x0  }
0x46: {  	[sflag:s12] =	ssyncadd.s32 @!p0 $0xFFFFFF80  }
0x47: {  	[tilespmem:s14], [sflag:$0x1] =	stream.indirect.gather @!p0 [hbm4b:s5+s14], $0x80, s13, s14, $0xb8;
	[tilespmem:$0x4080] =	vst v63  }
0x48: {  	_ =	swait.ge @!p0 [sflag:s15], $0x4000  }
.Ltmp1:
0x49: {  	[sflag:s15] =	ssyncset.done @!p0 $0x0;
	(pc) =	sbr.rel @p1 .LBB2_1-.Ltmp1, $4  }
0x4a: {  	[sflag:s15] =	ssyncadd.s32 @!p0 $0xFFFFC000  }
0x4b: {  	[hbm4b:s16+s13] =	stream.linear.scatter @!p0 [tilespmem:s14], [sflag:$0x2], $0x4000, $0x38;
	[tilespmem:$0x4080] =	vst v63  }
0x4c: {  	_ =	swait.ge @!p0 [sflag:s12], $0x4000  }
0x4d: {  	[sflag:s12] =	ssyncset.done @!p0 $0x0  }
.LBB2_2:
0x4e: {  	[sflag:s12] =	ssyncadd.s32 @!p0 $0xFFFFC000  }
0x4f: {  	_ =	sfence.sel $0x180000  }
0x50: {  	[bflag:$0x0] =	sbarrier.arrive $0xFFFF  }
0x51: {  	p0 =	sne.s32 s0, $0x0;
	_ =	strace $0x90000047  }
0x52: {  	s0 =	sadd.s32 @!p0 $0x100000, s1;
	[bflag:$0x2] =	sbarrier.arrive $0xFFFF  }
0x53: {  	[sflag:s0] =	ssyncadd.tile.s32 @!p0 $0x1;
	_ =	shalt  }
.Lfunc_end2:
_tile_overlayer_lowered:
.L_overlay_start_2:
0x54: {  	(tag) =	ssettag $0x2  }
0x55: {  	s0 =	rddreg [dreg:$0x0];
	s2 =	stileid.u32  }
0x56: {  	s1 =	rddreg [dreg:$0x1];
	p0 =	sne.s32 s2, $0x0  }
0x57: {  	s3 =	rddreg [dreg:$0x2];
	[bflag:$0x3] =	sbarrier.arrive $0xFFFF;
	s2 =	simm.s32 @!p0 $0x1C02  }
0x58: {  	[timem:s3], [sflag:s2] =	dma.local @!p0 [hbm:s0], s1  }
0x59: {  	s0 =	simm.s32 @!p0 $0x2  }
0x5a: {  	_ =	swait.ge @!p0 [sflag:s0], s1  }
0x5b: {  	s1 =	ssub.s32 @!p0 $0x0, s1;
	[sflag:s0] =	ssyncset.done @!p0 $0x0  }
0x5c: {  	[sflag:s0] =	ssyncadd.s32 @!p0 s1  }
0x5d: {  	[bflag:$0x3] =	sbarrier.arrive $0xFFFF  }
0x5e: {  	_ =	shalt  }

// kernel: kernel.9.cloned.1.call-start
scs
__scs_entry_jumppad:
0x0: {  	(pc) =	sbr.rel $0x88, $3  }
0x1: {  	(tag) =	ssettag $0x0;
	lr =	simm.s32 $0x1  }
0x2: {  	[smem:$0x3F9F] =	sst lr;
	_ =	strace $0xD0000000  }
0x3: {  	_ = 	snop  }
0x4: {  	_ = 	snop  }
0x5: {  	_ = 	snop  }
0x6: {  	_ = 	snop  }
0x7: {  	_ = 	snop  }
__scs_overlays_trampoline_lowered:
0x8: {  	[smem:$0x3FAE] =	sst s0  }
0x9: {  	[smem:$0x3FAF] =	sst s1  }
0xa: {  	[smem:$0x3FB0] =	sst s2  }
0xb: {  	[smem:$0x3FB1] =	sst s3  }
0xc: {  	[smem:$0x3FB2] =	sst s4  }
0xd: {  	[smem:$0x3FB3] =	sst s5  }
0xe: {  	[smem:$0x3FB4] =	sst s6  }
0xf: {  	[smem:$0x3FB5] =	sst s7  }
0x10: {  	[smem:$0x3FB6] =	sst s8  }
0x11: {  	[smem:$0x3FB7] =	sst s9;
	s0 =	simm.s32 @!p0 $0x0  }
0x12: {  	s1 =	sld [smem:$0x3F9D];
	s0 =	simm.s32 @p0 $0x1  }
0x13: {  	[smem:$0x3FB8] =	sst s0;
	s0 =	simm.s32 @!p1 $0x0  }
0x14: {  	s2 =	sld [smem:$0x3F9C];
	s0 =	simm.s32 @p1 $0x1  }
0x15: {  	[smem:$0x3FB9] =	sst s0;
	s0 =	simm.s32 @!p2 $0x0  }
0x16: {  	s3 =	sld [smem:$0x3FDB];
	s0 =	simm.s32 @p2 $0x1  }
0x17: {  	s4 =	simm.s32 $0x1BF5;
	[smem:$0x3FBB] =	sst s0  }
0x18: {  	s0 =	sld [smem:$0x3F9E];
	_ =	swait.ge [sflag:s4], $0x0  }
0x19: {  	s7 =	sld [smem:$0x3F9F]  }
0x1a: {  	s8 =	sadd.s32 $0xFFFFE003, lr  }
0x1b: {  	s9 =	sadd.s32 $0xFFFFFEF7, lr;
	s5 =	simm.s32 $0xFFFFFFFF;
	p2 =	slt.u32 s8, $0xFFFFF086  }
0x1c: {  	p1 =	slt.u32 s9, $0xF7A;
	s5 =	simm.s32 @!p2 $0x0  }
0x1d: {  	s5 =	simm.s32 @p1 $0x1;
	p0 =	seq.s32 s7, s2  }
0x1e: {  	s7 =	smul.u32 @!p0 $0xF7A, s2;
	p2 =	seq.s32 @!p0 s5, $0x0  }
0x1f: {  	s9 =	smul.u32 $0xF7A, s1;
	s8 =	simm.s32 @!p0 $0x1BF5;
	p2 =	por !p2, p0  }
0x20: {  	[sflag:s8] =	ssyncset.s32 @!p0 $0xFFFFF086;
	s6 =	sadd.s32 @!p0 s3, s7;
	s7 =	simm.s32 @!p0 $0x108  }
0x21: {  	s3 =	sadd.s32 s3, s9;
	s6 =	sadd.s32 @!p0 $0x88, s6;
	s7 =	simm.s32 @p2 $0x1082  }
0x22: {  	[simem:s7], [sflag:s8] =	dma.local @!p0 [hbm:s6], $0xF7A  }
0x23: {  	s9 =	sor.u32 $0xD0000000, s2;
	s6 =	simm.s32 $0x108;
	_ =	swait.ge @!p0 [sflag:s8], $0x0  }
0x24: {  	s3 =	sadd.s32 $0x88, s3;
	s6 =	simm.s32 @!p1 $0x1082;
	[sflag:s4] =	ssyncset.s32 $0xFFFFF086  }
0x25: {  	[simem:s6], [sflag:s4] =	dma.local [hbm:s3], $0xF7A  }
0x26: {  	[smem:$0x3F9F] =	sst s1;
	(tag) =	ssettag s2;
	_ =	strace s9  }
0x27: {  	s1 =	sld [smem:$0x3FAF]  }
0x28: {  	s2 =	sld [smem:$0x3FB0]  }
0x29: {  	s4 =	sld [smem:$0x3FB2]  }
0x2a: {  	p0 =	seq.s32 s5, $0x0;
	s5 =	sld [smem:$0x3FB3]  }
0x2b: {  	s6 =	sld [smem:$0x3FB4]  }
0x2c: {  	s7 =	sld [smem:$0x3FB5]  }
0x2d: {  	s3 =	simm.s32 $0x108;
	s8 =	sld [smem:$0x3FB6]  }
0x2e: {  	s3 =	simm.s32 @!p0 $0x1082;
	s9 =	sld [smem:$0x3FB7]  }
0x2f: {  	lr =	sadd.s32 s0, s3;
	s0 =	sld [smem:$0x3FAE]  }
0x30: {  	s3 =	sld [smem:$0x3FB1]  }
0x31: {  	[smem:$0x3FBA] =	sst s10  }
0x32: {  	s10 =	sld [smem:$0x3FB8];
	_ =	sdelay $0x3  }
0x33: {  	p0 =	seq.s32 s10, $0x1;
	s10 =	sld [smem:$0x3FBA];
	_ =	sdelay $0x3  }
0x34: {  	[smem:$0x3FBA] =	sst s10  }
0x35: {  	s10 =	sld [smem:$0x3FB9];
	_ =	sdelay $0x3  }
0x36: {  	p1 =	seq.s32 s10, $0x1;
	s10 =	sld [smem:$0x3FBA];
	_ =	sdelay $0x3  }
0x37: {  	[smem:$0x3FBA] =	sst s10  }
0x38: {  	s10 =	sld [smem:$0x3FBB]  }
0x39: {  	_ = 	snop;
	(pc) =	sbr.ind lr, $3  }
0x3a: {  	_ = 	snop  }
0x3b: {  	_ = 	snop  }
0x3c: {  	p2 =	seq.s32 s10, $0x1;
	s10 =	sld [smem:$0x3FBA]  }
0x3d: {  	_ =	shalt  }
0x3e: {  	_ =	shalt  }
0x3f: {  	_ =	shalt  }
0x40: {  	_ =	shalt  }
0x41: {  	_ =	shalt  }
0x42: {  	_ =	shalt  }
0x43: {  	_ =	shalt  }
0x44: {  	_ =	shalt  }
0x45: {  	_ =	shalt  }
0x46: {  	_ =	shalt  }
0x47: {  	_ =	shalt  }
0x48: {  	_ =	shalt  }
0x49: {  	_ =	shalt  }
0x4a: {  	_ =	shalt  }
0x4b: {  	_ =	shalt  }
0x4c: {  	_ =	shalt  }
0x4d: {  	_ =	shalt  }
0x4e: {  	_ =	shalt  }
0x4f: {  	_ =	shalt  }
0x50: {  	_ =	shalt  }
0x51: {  	_ =	shalt  }
0x52: {  	_ =	shalt  }
0x53: {  	_ =	shalt  }
0x54: {  	_ =	shalt  }
0x55: {  	_ =	shalt  }
0x56: {  	_ =	shalt  }
0x57: {  	_ =	shalt  }
0x58: {  	_ =	shalt  }
0x59: {  	_ =	shalt  }
0x5a: {  	_ =	shalt  }
0x5b: {  	_ =	shalt  }
0x5c: {  	_ =	shalt  }
0x5d: {  	_ =	shalt  }
0x5e: {  	_ =	shalt  }
0x5f: {  	_ =	shalt  }
0x60: {  	_ =	shalt  }
0x61: {  	_ =	shalt  }
0x62: {  	_ =	shalt  }
0x63: {  	_ =	shalt  }
0x64: {  	_ =	shalt  }
0x65: {  	_ =	shalt  }
0x66: {  	_ =	shalt  }
0x67: {  	_ =	shalt  }
0x68: {  	_ =	shalt  }
0x69: {  	_ =	shalt  }
0x6a: {  	_ =	shalt  }
0x6b: {  	_ =	shalt  }
0x6c: {  	_ =	shalt  }
0x6d: {  	_ =	shalt  }
0x6e: {  	_ =	shalt  }
0x6f: {  	_ =	shalt  }
0x70: {  	_ =	shalt  }
0x71: {  	_ =	shalt  }
0x72: {  	_ =	shalt  }
0x73: {  	_ =	shalt  }
0x74: {  	_ =	shalt  }
0x75: {  	_ =	shalt  }
0x76: {  	_ =	shalt  }
0x77: {  	_ =	shalt  }
0x78: {  	_ =	shalt  }
0x79: {  	_ =	shalt  }
0x7a: {  	_ =	shalt  }
0x7b: {  	_ =	shalt  }
0x7c: {  	_ =	shalt  }
0x7d: {  	_ =	shalt  }
0x7e: {  	_ =	shalt  }
0x7f: {  	_ =	shalt  }
0x80: {  	_ =	shalt  }
0x81: {  	_ =	shalt  }
0x82: {  	_ =	shalt  }
0x83: {  	_ =	shalt  }
0x84: {  	_ =	shalt  }
0x85: {  	_ =	shalt  }
0x86: {  	_ =	shalt  }
0x87: {  	_ =	shalt  }
.Lfunc_end0:
.L_simem_size_0:
called_computation.1_lowered:
.L_overlay_start_0:
0x88: {  	s2 =	sld [smem:$0x3FD9]  }
0x89: {  	s3 =	sld [smem:$0x3FFE];
	_ =	sdelay $0x1  }
0x8a: {  	s1 =	srdreg.scid  }
0x8b: {  	s0 =	sand.u32 $0x1, s1  }
0x8c: {  	s14 =	sshll.u32 s0, $0xA;
	s2 =	sadd.s32 s3, s2  }
0x8d: {  	s2 =	sadd.s32 s2, s14  }
0x8e: {  	[smem:$0x3FC6] =	sst s2  }
0x8f: {  	_ = 	snop  }
0x90: {  	s2 =	sld [smem:$0x3FD0];
	_ =	sdelay $0x2  }
0x91: {  	s4 =	simm.s32 $0xA;
	s5 =	simm.s32 $0x10;
	s15 =	sld [smem:$0x3FC8]  }
0x92: {  	[smem:s5], [sflag:s4] =	dma.local [hbm:s2], $0x1  }
0x93: {  	_ =	swait.eq [sflag:s4], $0x1  }
0x94: {  	[sflag:s4] =	ssyncset.done $0x0  }
0x95: {  	[sflag:s4] =	ssyncadd.s32 $0xFFFFFFFF  }
0x96: {  	s16 =	sld [smem:$0x12];
	(tm) =	ssettm $0x1  }
0x97: {  	s17 =	sld [smem:$0x3FFB];
	_ =	sdelay $0x3  }
0x98: {  	_ =	strace s17  }
0x99: {  	s4 =	sld [smem:$0x3FFC];
	_ =	sdelay $0x3  }
0x9a: {  	_ =	strace s4  }
0x9b: {  	s4 =	sld [smem:$0x3FFD];
	_ =	sdelay $0x3  }
0x9c: {  	_ =	strace s4  }
0x9d: {  	_ =	strace $0x8FFFFFFF  }
0x9e: {  	s18 =	sld [smem:$0x3FDB];
	_ =	sdelay $0x1  }
0x9f: {  	s19 =	simm.s32 $_scs_section_size  }
0xa0: {  	s6 =	simm.s32 $_size__tile_overlayer_lowered;
	s7 =	simm.s32 $_tile_overlayer_lowered  }
0xa1: {  	s22 =	simm.s32 $0x1BFF;
	s21 =	sshll.u32 s7, $0x1;
	s4 =	sadd.s32 s19, s18  }
0xa2: {  	s8 =	simm.s32 $0x0;
	s20 =	sshll.u32 s6, $0x1;
	s6 =	sadd.s32 s21, s4  }
0xa3: {  	[timem:s8], [sflag:s22] =	dma.local [hbm:s6], s20  }
0xa4: {  	_ =	swait.ge [sflag:s22], s20  }
0xa5: {  	s5 =	ssub.s32 $0x0, s20;
	[sflag:s22] =	ssyncset.done $0x0  }
0xa6: {  	[sflag:s22] =	ssyncadd.s32 s5;
	_ =	sdelay $0x1  }
0xa7: {  	s23 =	simm.s32 $0x1B8B  }
0xa8: {  	_ =	swait.ge [sflag:s23], $0x1  }
0xa9: {  	[sflag:s23] =	ssyncset.done $0x0  }
0xaa: {  	s25 =	simm.s32 $0x1B8E;
	s24 =	sld [smem:$0x3FFE];
	[sflag:s23] =	ssyncadd.s32 $0xFFFFFFFF  }
0xab: {  	s26 =	simm.s32 $execute0_lowered;
	[smem:$0x3FD2] =	sst s25  }
0xac: {  	s6 =	sshll.u32 s26, $0x1;
	_ =	strace $0x80000049;
	[dreg:$0x1] =	wrdreg $0xFFFFFFFF  }
0xad: {  	s28 =	simm.s32 $_size_execute0_lowered;
	s4 =	sadd.s32 s4, s6;
	[dreg:$0x0] =	wrdreg $0x0  }
0xae: {  	s6 =	sshll.u32 s28, $0x1;
	[dreg:$0x2] =	wrdreg s4  }
0xaf: {  	[dreg:$0x3] =	wrdreg s6  }
0xb0: {  	[dreg:$0x4] =	wrdreg $0xC0  }
0xb1: {  	_ =	task [dreg:s8], $0x5FFFF  }
0xb2: {  	[dreg:$0x1] =	wrdreg $0xFFFFFFFF  }
0xb3: {  	[dreg:$0x0] =	wrdreg $0x60  }
0xb4: {  	[dreg:$0x2] =	wrdreg s15  }
0xb5: {  	[dreg:$0x3] =	wrdreg s24  }
0xb6: {  	[dreg:$0x4] =	wrdreg s16  }
0xb7: {  	[dreg:$0x5] =	wrdreg $0x9  }
0xb8: {  	_ =	task.clear_ibuf [dreg:s8], $0x6FFFF;
	_ =	strace $0x90000049  }
0xb9: {  	s29 =	simm.s32 $0x9;
	_ =	strace $0x8000004B  }
0xba: {  	_ =	swait.ge [sflag:s29], $0x1  }
0xbb: {  	[sflag:s29] =	ssyncadd.s32 $0xFFFFFFFF  }
0xbc: {  	_ =	strace $0x9000004B  }
0xbd: {  	_ =	sfence  }
0xbe: {  	s30 =	sld [smem:$0x0];
	_ =	sdelay $0x2  }
0xbf: {  	s31 =	sshll.u32 s1, $0xD;
	s1 =	sshrl.u32 s1, $0x2  }
0xc0: {  	s3 =	sand.u32 $0x4000, s31;
	s1 =	sadd.s32 s1, s30  }
0xc1: {  	s0 =	sor.u32 s3, s0;
	s1 =	sshll.u32 s1, $0x11  }
0xc2: {  	s0 =	sor.u32 s1, s0  }
0xc3: {  	s0 =	sadd.s32 $0x8F2B, s0  }
0xc4: {  	[sflag:s0] =	ssyncadd.remote.s32 $0x1  }
0xc5: {  	_ =	sfence.sel $0xFFFF  }
0xc6: {  	[dreg:$0x0] =	wrdreg $0xFFFFFFFF;
	(pc) =	sbr.abs _section_cstart, $3  }
0xc7: {  	[dreg:$0x1] =	wrdreg $0xFFFFFFFF  }
0xc8: {  	_ =	task.clear_ibuf [dreg:s8], $0x2FFFF;
	_ =	strace $0x9FFFFFFF  }
0xc9: {  	(tm) =	ssettm $0x7FFFFFFF  }
tec
execute0_lowered:
.L_overlay_start_1:
0x0: {  	(tag) =	ssettag $0x1  }
0x1: {  	s2 =	rddreg [dreg:$0x0]  }
0x2: {  	s4 =	rddreg [dreg:$0x1]  }
0x3: {  	s1 =	srdreg.scid;
	s0 =	stileid.u32  }
0x4: {  	s16 =	rddreg [dreg:$0x2];
	s14 =	sand.u32 $0x1, s1;
	s5 =	sshll.u32 s0, $0x1  }
0x5: {  	s3 =	simm.s32 $0x0;
	s1 =	rddreg [dreg:$0x3];
	s11 =	sor.u32 s14, s5  }
0x6: {  	[smem:$0x7FF] =	sst s3;
	s12 =	sadd.s32 $0xA00, s4;
	s31 =	sshll.u32 s11, $0x4  }
0x7: {  	_ =	strace $0x8000004A;
	s5 =	simm.s32 $0x2;
	s4 =	sadd.s32 s12, s31  }
0x8: {  	[tilespmem:s3], [sflag:$0x2] =	stream.linear.gather [hbm4b:s4+s3], $0x80, $0x38;
	[tilespmem:$0x4080] =	vst v63  }
0x9: {  	_ =	swait.ge [sflag:s5], $0x80  }
0xa: {  	[sflag:s5] =	ssyncset.done $0x0  }
0xb: {  	s6 =	simm.s32 $0x80;
	s7 =	simm.s32 $0x1;
	[sflag:s5] =	ssyncadd.s32 $0xFFFFFF80  }
0xc: {  	[tilespmem:s6], [sflag:$0x1] =	stream.indirect.gather [hbm4b:s2+s6], $0x80, s3, s6, $0xb8;
	[tilespmem:$0x4080] =	vst v63  }
0xd: {  	_ =	swait.ge [sflag:s7], $0x4000  }
0xe: {  	s8 =	sshll.u32 s11, $0xB;
	[sflag:s7] =	ssyncset.done $0x0  }
0xf: {  	s8 =	sadd.s32 s16, s8;
	[sflag:s7] =	ssyncadd.s32 $0xFFFFC000  }
0x10: {  	[hbm4b:s8+s3] =	stream.linear.scatter [tilespmem:s6], [sflag:$0x2], $0x4000, $0x38;
	[tilespmem:$0x4080] =	vst v63  }
0x11: {  	s10 =	sor.u32 $0x20, s11;
	_ =	swait.ge [sflag:s5], $0x4000  }
0x12: {  	s9 =	sshll.u32 s10, $0x4;
	[sflag:s5] =	ssyncset.done $0x0  }
0x13: {  	s9 =	sadd.s32 s12, s9;
	[sflag:s5] =	ssyncadd.s32 $0xFFFFC000  }
0x14: {  	[tilespmem:s3], [sflag:$0x2] =	stream.linear.gather [hbm4b:s9+s3], $0x80, $0x38;
	[tilespmem:$0x4080] =	vst v63  }
0x15: {  	_ =	swait.ge [sflag:s5], $0x80  }
0x16: {  	[sflag:s5] =	ssyncset.done $0x0  }
0x17: {  	[sflag:s5] =	ssyncadd.s32 $0xFFFFFF80  }
0x18: {  	[tilespmem:s6], [sflag:$0x1] =	stream.indirect.gather [hbm4b:s2+s6], $0x80, s3, s6, $0xb8;
	[tilespmem:$0x4080] =	vst v63  }
0x19: {  	p0 =	sgt.u32 s0, $0x7;
	_ =	swait.ge [sflag:s7], $0x4000  }
0x1a: {  	s13 =	simm.s32 @!p0 $0x0;
	s10 =	sshll.u32 s10, $0xB;
	[sflag:s7] =	ssyncset.done $0x0  }
0x1b: {  	s18 =	ssub.s32 $0x2, s14;
	s10 =	sadd.s32 s16, s10;
	[sflag:s7] =	ssyncadd.s32 $0xFFFFC000  }
0x1c: {  	[hbm4b:s10+s3] =	stream.linear.scatter [tilespmem:s6], [sflag:$0x2], $0x4000, $0x38;
	[tilespmem:$0x4080] =	vst v63  }
0x1d: {  	s14 =	simm.s32 @!p0 $0x80;
	s17 =	sor.u32 $0x40, s11;
	_ =	swait.ge [sflag:s5], $0x4000  }
0x1e: {  	s19 =	sshrl.u32 s18, $0x1;
	s11 =	sshll.u32 s17, $0x4;
	[sflag:s5] =	ssyncset.done $0x0  }
0x1f: {  	s11 =	sadd.s32 s12, s11;
	s12 =	simm.s32 @!p0 $0x2;
	[sflag:s5] =	ssyncadd.s32 $0xFFFFC000  }
0x20: {  	[tilespmem:s13], [sflag:$0x2] =	stream.linear.gather @!p0 [hbm4b:s11+s13], $0x80, $0x38;
	[tilespmem:$0x4080] =	vst v63  }
0x21: {  	s15 =	simm.s32 @!p0 $0x1;
	s18 =	ssub.s32 s18, s19;
	_ =	swait.ge @!p0 [sflag:s12], $0x80  }
0x22: {  	s17 =	sshll.u32 s17, $0xB;
	s18 =	smax.u32 s18, $0x1;
	[sflag:s12] =	ssyncset.done @!p0 $0x0  }
0x23: {  	s16 =	sadd.s32 s16, s17;
	s17 =	sadd.s32 $0xFFFFFFFF, s18;
	[sflag:s12] =	ssyncadd.s32 @!p0 $0xFFFFFF80  }
0x24: {  	[tilespmem:s14], [sflag:$0x1] =	stream.indirect.gather @!p0 [hbm4b:s2+s14], $0x80, s13, s14, $0xb8;
	[tilespmem:$0x4080] =	vst v63  }
0x25: {  	p1 =	sne.s32 s17, $0x0;
	_ =	swait.ge @!p0 [sflag:s15], $0x4000  }
.Ltmp0:
0x26: {  	[sflag:s15] =	ssyncset.done @!p0 $0x0;
	(pc) =	sbr.rel @!p1 .LBB2_2-.Ltmp0, $4  }
0x27: {  	[sflag:s15] =	ssyncadd.s32 @!p0 $0xFFFFC000  }
0x28: {  	[hbm4b:s16+s13] =	stream.linear.scatter @!p0 [tilespmem:s14], [sflag:$0x2], $0x4000, $0x38;
	[tilespmem:$0x4080] =	vst v63  }
0x29: {  	_ =	swait.ge @!p0 [sflag:s12], $0x4000  }
0x2a: {  	[sflag:s12] =	ssyncset.done @!p0 $0x0  }
.LBB2_1:
0x2b: {  	s17 =	sadd.s32 $0xFFFFFFFF, s17;
	[sflag:s12] =	ssyncadd.s32 @!p0 $0xFFFFC000  }
0x2c: {  	[tilespmem:s3], [sflag:$0x2] =	stream.linear.gather [hbm4b:s4+s3], $0x80, $0x38;
	[tilespmem:$0x4080] =	vst v63  }
0x2d: {  	p1 =	sne.s32 s17, $0x0;
	_ =	swait.ge [sflag:s5], $0x80  }
0x2e: {  	[sflag:s5] =	ssyncset.done $0x0  }
0x2f: {  	[sflag:s5] =	ssyncadd.s32 $0xFFFFFF80  }
0x30: {  	[tilespmem:s6], [sflag:$0x1] =	stream.indirect.gather [hbm4b:s2+s6], $0x80, s3, s6, $0xb8;
	[tilespmem:$0x4080] =	vst v63  }
0x31: {  	_ =	swait.ge [sflag:s7], $0x4000  }
0x32: {  	[sflag:s7] =	ssyncset.done $0x0  }
0x33: {  	[sflag:s7] =	ssyncadd.s32 $0xFFFFC000  }
0x34: {  	[hbm4b:s8+s3] =	stream.linear.scatter [tilespmem:s6], [sflag:$0x2], $0x4000, $0x38;
	[tilespmem:$0x4080] =	vst v63  }
0x35: {  	_ =	swait.ge [sflag:s5], $0x4000  }
0x36: {  	[sflag:s5] =	ssyncset.done $0x0  }
0x37: {  	[sflag:s5] =	ssyncadd.s32 $0xFFFFC000  }
0x38: {  	[tilespmem:s3], [sflag:$0x2] =	stream.linear.gather [hbm4b:s9+s3], $0x80, $0x38;
	[tilespmem:$0x4080] =	vst v63  }
0x39: {  	_ =	swait.ge [sflag:s5], $0x80  }
0x3a: {  	[sflag:s5] =	ssyncset.done $0x0  }
0x3b: {  	[sflag:s5] =	ssyncadd.s32 $0xFFFFFF80  }
0x3c: {  	[tilespmem:s6], [sflag:$0x1] =	stream.indirect.gather [hbm4b:s2+s6], $0x80, s3, s6, $0xb8;
	[tilespmem:$0x4080] =	vst v63  }
0x3d: {  	_ =	swait.ge [sflag:s7], $0x4000  }
0x3e: {  	[sflag:s7] =	ssyncset.done $0x0  }
0x3f: {  	[sflag:s7] =	ssyncadd.s32 $0xFFFFC000  }
0x40: {  	[hbm4b:s10+s3] =	stream.linear.scatter [tilespmem:s6], [sflag:$0x2], $0x4000, $0x38;
	[tilespmem:$0x4080] =	vst v63  }
0x41: {  	_ =	swait.ge [sflag:s5], $0x4000  }
0x42: {  	[sflag:s5] =	ssyncset.done $0x0  }
0x43: {  	[sflag:s5] =	ssyncadd.s32 $0xFFFFC000  }
0x44: {  	[tilespmem:s13], [sflag:$0x2] =	stream.linear.gather @!p0 [hbm4b:s11+s13], $0x80, $0x38;
	[tilespmem:$0x4080] =	vst v63  }
0x45: {  	_ =	swait.ge @!p0 [sflag:s12], $0x80  }
0x46: {  	[sflag:s12] =	ssyncset.done @!p0 $0x0  }
0x47: {  	[sflag:s12] =	ssyncadd.s32 @!p0 $0xFFFFFF80  }
0x48: {  	[tilespmem:s14], [sflag:$0x1] =	stream.indirect.gather @!p0 [hbm4b:s2+s14], $0x80, s13, s14, $0xb8;
	[tilespmem:$0x4080] =	vst v63  }
0x49: {  	_ =	swait.ge @!p0 [sflag:s15], $0x4000  }
.Ltmp1:
0x4a: {  	[sflag:s15] =	ssyncset.done @!p0 $0x0;
	(pc) =	sbr.rel @p1 .LBB2_1-.Ltmp1, $4  }
0x4b: {  	[sflag:s15] =	ssyncadd.s32 @!p0 $0xFFFFC000  }
0x4c: {  	[hbm4b:s16+s13] =	stream.linear.scatter @!p0 [tilespmem:s14], [sflag:$0x2], $0x4000, $0x38;
	[tilespmem:$0x4080] =	vst v63  }
0x4d: {  	_ =	swait.ge @!p0 [sflag:s12], $0x4000  }
0x4e: {  	[sflag:s12] =	ssyncset.done @!p0 $0x0  }
.LBB2_2:
0x4f: {  	[sflag:s12] =	ssyncadd.s32 @!p0 $0xFFFFC000  }
0x50: {  	_ =	sfence.sel $0x180000  }
0x51: {  	[bflag:$0x0] =	sbarrier.arrive $0xFFFF  }
0x52: {  	p0 =	sne.s32 s0, $0x0;
	_ =	strace $0x9000004A  }
0x53: {  	s0 =	sadd.s32 @!p0 $0x100000, s1;
	[bflag:$0x2] =	sbarrier.arrive $0xFFFF  }
0x54: {  	[sflag:s0] =	ssyncadd.tile.s32 @!p0 $0x1;
	_ =	shalt  }
.Lfunc_end2:
_tile_overlayer_lowered:
.L_overlay_start_2:
0x55: {  	(tag) =	ssettag $0x2  }
0x56: {  	s0 =	rddreg [dreg:$0x0];
	s2 =	stileid.u32  }
0x57: {  	s1 =	rddreg [dreg:$0x1];
	p0 =	sne.s32 s2, $0x0  }
0x58: {  	s3 =	rddreg [dreg:$0x2];
	[bflag:$0x3] =	sbarrier.arrive $0xFFFF;
	s2 =	simm.s32 @!p0 $0x1C02  }
0x59: {  	[timem:s3], [sflag:s2] =	dma.local @!p0 [hbm:s0], s1  }
0x5a: {  	s0 =	simm.s32 @!p0 $0x2  }
0x5b: {  	_ =	swait.ge @!p0 [sflag:s0], s1  }
0x5c: {  	s1 =	ssub.s32 @!p0 $0x0, s1;
	[sflag:s0] =	ssyncset.done @!p0 $0x0  }
0x5d: {  	[sflag:s0] =	ssyncadd.s32 @!p0 s1  }
0x5e: {  	[bflag:$0x3] =	sbarrier.arrive $0xFFFF  }
0x5f: {  	_ =	shalt  }

</sc_bundles>
